<compile_context>
chip_gen: v7x
topology: tpu7x:2x2x1
jax: 0.10.2.dev20260603
libtpu: 0.0.44.dev20260713+nightly
codegen_flags: <defaults>
</compile_context>

<pallas_src>
import jax
import jax.numpy as jnp
from jax import lax
from jax.experimental import pallas as pl
from jax.experimental.pallas import tpu as pltpu
from jax.experimental.pallas import tpu_sc as plsc

N_NODES = 10000
N_EDGES = 320000
D_IN = 128
D_OUT = 128

NC = 2
NS = 16
NW = NC * NS
EPW = 10240
PAD_E = NW * EPW - N_EDGES
EPW_A = N_EDGES // NW
CH = 80
NCH = EPW_A // CH
CHD = 64
NCHD = EPW // CHD
NBUF_D = 5
N_PAD = 10240
RPT = N_PAD // NS
NWO = RPT // CH
NWOD = RPT // CHD
DEG_W = 128


def _acc_body(feat_hbm, src_hbm, dst_hbm, zfeat_hbm,
              acc_out,
              idx_s, idx_d, rows, sem, acc_sh):
    c = lax.axis_index("c")
    s = lax.axis_index("s")
    wid = s * NC + c
    base = wid * EPW_A
    row0 = s * RPT

    pltpu.sync_copy(zfeat_hbm, rows)

    def zinit(k, carry):
        pltpu.sync_copy(rows, acc_sh.at[pl.ds(row0 + k * CH, CH)])
        return carry

    lax.fori_loop(0, NWO, zinit, 0)
    plsc.subcore_barrier()

    def chunk(j, carry):
        off = base + j * CH
        pltpu.sync_copy(src_hbm.at[pl.ds(off, CH)], idx_s)
        pltpu.sync_copy(dst_hbm.at[pl.ds(off, CH)], idx_d)
        pltpu.async_copy(feat_hbm.at[idx_s], rows, sem).wait()
        pltpu.sync_copy(rows, acc_sh.at[idx_d], add=True)
        return carry

    lax.fori_loop(0, NCH, chunk, 0)
    plsc.subcore_barrier()

    def wout(k, carry):
        r = row0 + k * CH
        pltpu.sync_copy(acc_sh.at[pl.ds(r, CH)], rows)
        pltpu.sync_copy(rows, acc_out.at[c, pl.ds(r, CH)])
        return carry

    lax.fori_loop(0, NWO, wout, 0)


def _deg_body(dst_hbm, zdeg_hbm, ones_hbm,
              deg_out,
              idx_d, ones_v, wbuf, semid, semsc, semw, deg_sh):
    c = lax.axis_index("c")
    s = lax.axis_index("s")
    wid = s * NC + c
    base = wid * EPW
    row0 = s * RPT

    def idx_start(j, b):
        pltpu.async_copy(dst_hbm.at[pl.ds(base + j * CHD, CHD)], idx_d[b], semid[b])

    def idx_wait(j, b):
        pltpu.make_async_copy(
            dst_hbm.at[pl.ds(base + j * CHD, CHD)], idx_d[b], semid[b]
        ).wait()

    def scatter_start(b):
        pltpu.async_copy(ones_v, deg_sh.at[idx_d[b]], semsc[b], add=True)

    def scatter_wait(b):
        pltpu.make_async_copy(ones_v, deg_sh.at[idx_d[b]], semsc[b]).wait()

    pltpu.sync_copy(ones_hbm, ones_v)
    pltpu.sync_copy(zdeg_hbm, wbuf[0])

    def zinit(k, carry):
        pltpu.sync_copy(wbuf[0], deg_sh.at[pl.ds(row0 + k * CHD, CHD)])
        return carry

    lax.fori_loop(0, NWOD, zinit, 0)
    plsc.subcore_barrier()

    idx_start(0, 0)
    idx_start(1, 1)

    def grp(g, carry):
        for b in range(NBUF_D):
            j = g * NBUF_D + b
            bi = (b + 2) % NBUF_D

            @pl.when(j >= 3)
            def _():
                scatter_wait(bi)

            @pl.when(j + 2 < NCHD)
            def _():
                idx_start(j + 2, bi)

            idx_wait(j, b)
            scatter_start(b)
        return carry

    lax.fori_loop(0, NCHD // NBUF_D, grp, 0)
    for j0 in range(NCHD - 3, NCHD):
        scatter_wait(j0 % NBUF_D)
    plsc.subcore_barrier()

    for k in range(NWOD):
        b = k % 2
        if k >= 2:
            pltpu.make_async_copy(
                wbuf[b], deg_out.at[c, pl.ds(row0 + (k - 2) * CHD, CHD)], semw[b]
            ).wait()
        r = row0 + k * CHD
        pltpu.async_copy(deg_sh.at[pl.ds(r, CHD)], wbuf[b], semsc[b]).wait()
        pltpu.async_copy(wbuf[b], deg_out.at[c, pl.ds(r, CHD)], semw[b])
    for k in range(NWOD - 2, NWOD):
        b = k % 2
        pltpu.make_async_copy(
            wbuf[b], deg_out.at[c, pl.ds(row0 + k * CHD, CHD)], semw[b]
        ).wait()


def _tc_body(p_ref, g_ref, f_ref, w_ref, b_ref, o_ref):
    ssum = p_ref[0] + p_ref[1]
    deg = g_ref[0, :, 0:1] + g_ref[1, :, 0:1]
    agg = jnp.where(deg > 0.0, ssum / jnp.maximum(deg, 1.0), f_ref[...])
    h = lax.dot_general(agg, w_ref[...], (((1,), (1,)), ((), ())),
                        preferred_element_type=jnp.float32)
    o_ref[...] = jnp.maximum(h + b_ref[...], 0.0)


@jax.jit
def kernel(feature, edge_index, W, b):
    src = edge_index[0].astype(jnp.int32)
    dst = edge_index[1].astype(jnp.int32)
    ppw = EPW - EPW_A
    dummy_dst = jnp.broadcast_to(N_NODES + jnp.arange(ppw, dtype=jnp.int32),
                                 (NW, ppw))
    dst_p = jnp.concatenate([dst.reshape(NW, -1), dummy_dst],
                            axis=1).reshape(-1)
    zfeat = jnp.zeros((CH, D_IN), jnp.float32)
    zdeg = jnp.zeros((CHD, DEG_W), jnp.float32)
    ones = jnp.ones((CHD, DEG_W), jnp.float32)

    mesh = plsc.VectorSubcoreMesh(core_axis_name="c", subcore_axis_name="s")
    acc_call = pl.kernel(
        _acc_body,
        out_type=jax.ShapeDtypeStruct((NC, N_PAD, D_IN), jnp.float32),
        mesh=mesh,
        scratch_types=[
            pltpu.VMEM((CH,), jnp.int32),
            pltpu.VMEM((CH,), jnp.int32),
            pltpu.VMEM((CH, D_IN), jnp.float32),
            pltpu.SemaphoreType.DMA,
            pltpu.VMEM_SHARED((N_PAD, D_IN), jnp.float32),
        ],
    )
    partial = acc_call(feature, src, dst, zfeat)

    deg_call = pl.kernel(
        _deg_body,
        out_type=jax.ShapeDtypeStruct((NC, N_PAD, DEG_W), jnp.float32),
        mesh=mesh,
        scratch_types=[
            tuple(pltpu.VMEM((CHD,), jnp.int32) for _ in range(NBUF_D)),
            pltpu.VMEM((CHD, DEG_W), jnp.float32),
            tuple(pltpu.VMEM((CHD, DEG_W), jnp.float32) for _ in range(2)),
            tuple(pltpu.SemaphoreType.DMA for _ in range(NBUF_D)),
            tuple(pltpu.SemaphoreType.DMA for _ in range(NBUF_D)),
            tuple(pltpu.SemaphoreType.DMA for _ in range(2)),
            pltpu.VMEM_SHARED((N_PAD, DEG_W), jnp.float32),
        ],
    )
    pdeg = deg_call(dst_p, zdeg, ones)

    R = 1000
    out = pl.pallas_call(
        _tc_body,
        grid=(N_NODES // R,),
        in_specs=[
            pl.BlockSpec((NC, R, D_IN), lambda i: (0, i, 0)),
            pl.BlockSpec((NC, R, DEG_W), lambda i: (0, i, 0)),
            pl.BlockSpec((R, D_IN), lambda i: (i, 0)),
            pl.BlockSpec((D_OUT, D_IN), lambda i: (0, 0)),
            pl.BlockSpec((1, D_OUT), lambda i: (0, 0)),
        ],
        out_specs=pl.BlockSpec((R, D_OUT), lambda i: (i, 0)),
        out_shape=jax.ShapeDtypeStruct((N_NODES, D_OUT), jnp.float32),
    )(partial, pdeg, feature, W, b.reshape(1, D_OUT))
    return out

# --- scband reference (transcript-rebuilt; emitter-appended) ---
"""Pipeline reference for scband-gcn-24008867184689 (READ-ONLY COPY).

The authoritative reference and input builder live on the scoring server;
editing this copy changes nothing except your own understanding.
"""

import jax, jax.numpy as jnp
import numpy as np

N_NODES = 10000
N_EDGES = 320000
D_IN = 128
D_OUT = 128

def setup_inputs(seed: int = 0) -> dict:
    key = jax.random.key(seed)
    k1, k2, k3 = jax.random.split(key, 3)
    feature = jax.random.normal(k1, (N_NODES, D_IN), dtype=jnp.float32)
    edge_index = jax.random.randint(k2, (2, N_EDGES), 0, N_NODES, dtype=jnp.int64)
    W = jax.random.normal(k3, (D_OUT, D_IN), dtype=jnp.float32) * 0.05
    b = jnp.zeros((D_OUT,), dtype=jnp.float32)
    return {"feature": feature, "edge_index": edge_index, "W": W, "b": b}

def reference(feature, edge_index, W, b):
    # DGL GCN layer: message = copy_src('h'), reduce = mean over mailbox,
    # apply_nodes = Linear + activation.
    src = edge_index[0]
    dst = edge_index[1]
    # gather source features along edges (message passing)
    msgs = jnp.take(feature, src, axis=0)
    # mean-aggregate by destination node
    summed = jax.ops.segment_sum(msgs, dst, num_segments=N_NODES)
    deg = jax.ops.segment_sum(jnp.ones((N_EDGES,), dtype=jnp.float32), dst, num_segments=N_NODES)
    # DGL update_all only overwrites nodes that received >=1 message;
    # zero in-degree nodes keep their original feature.
    agg = jnp.where(deg[:, None] > 0, summed / jnp.maximum(deg, 1.0)[:, None], feature)
    # NodeApplyModule: linear + relu on all nodes
    h = agg @ W.T + b
    h = jax.nn.relu(h)
    return h

if __name__ == "__main__":
    import jax
    _d = setup_inputs()
    print(jax.jit(kernel)(*tuple(_d.values())))

</pallas_src>

<mosaic_0001>
#map = affine_map<(d0, d1) -> (0)>
#map1 = affine_map<(d0, d1) -> (0, 0)>
#map2 = affine_map<(d0, d1) -> (0, 0, 0)>
module attributes {stable_mosaic.version = 14 : i64} {
  func.func @_deg_body(%arg0: i32, %arg1: i32, %arg2: memref<327680xi32, #tpu.memory_space<hbm>>, %arg3: memref<64x128xf32, #tpu.memory_space<hbm>>, %arg4: memref<64x128xf32, #tpu.memory_space<hbm>>, %arg5: memref<2x10240x128xf32, #tpu.memory_space<hbm>>, %arg6: memref<64xi32, #tpu.memory_space<vmem>>, %arg7: memref<64xi32, #tpu.memory_space<vmem>>, %arg8: memref<64xi32, #tpu.memory_space<vmem>>, %arg9: memref<64xi32, #tpu.memory_space<vmem>>, %arg10: memref<64xi32, #tpu.memory_space<vmem>>, %arg11: memref<64x128xf32, #tpu.memory_space<vmem>>, %arg12: memref<64x128xf32, #tpu.memory_space<vmem>>, %arg13: memref<64x128xf32, #tpu.memory_space<vmem>>, %arg14: memref<!tpu.dma_semaphore, #tpu.memory_space<semaphore_mem>>, %arg15: memref<!tpu.dma_semaphore, #tpu.memory_space<semaphore_mem>>, %arg16: memref<!tpu.dma_semaphore, #tpu.memory_space<semaphore_mem>>, %arg17: memref<!tpu.dma_semaphore, #tpu.memory_space<semaphore_mem>>, %arg18: memref<!tpu.dma_semaphore, #tpu.memory_space<semaphore_mem>>, %arg19: memref<!tpu.dma_semaphore, #tpu.memory_space<semaphore_mem>>, %arg20: memref<!tpu.dma_semaphore, #tpu.memory_space<semaphore_mem>>, %arg21: memref<!tpu.dma_semaphore, #tpu.memory_space<semaphore_mem>>, %arg22: memref<!tpu.dma_semaphore, #tpu.memory_space<semaphore_mem>>, %arg23: memref<!tpu.dma_semaphore, #tpu.memory_space<semaphore_mem>>, %arg24: memref<!tpu.dma_semaphore, #tpu.memory_space<semaphore_mem>>, %arg25: memref<!tpu.dma_semaphore, #tpu.memory_space<semaphore_mem>>, %arg26: memref<10240x128xf32, #tpu.memory_space<vmem_shared>>) attributes {dimension_semantics = [#tpu.dimension_semantics<core_parallel>, #tpu.dimension_semantics<subcore_parallel>], iteration_bounds = array<i64: 2, 16>, scalar_prefetch = 0 : i64, scratch_operands = 21 : i64, tpu.core_type = #tpu.core_type<sc_vector_subcore>, window_params = [{transform_indices = #map}, {transform_indices = #map1}, {transform_indices = #map1}, {transform_indices = #map2}]} {
    %mul3A = arith.constant 2 : i32
    %mul3A_0 = arith.muli %arg1, %mul3A : i32
    %add3A = arith.addi %mul3A_0, %arg0 : i32
    %mul3A_1 = arith.constant 10240 : i32
    %mul3A_2 = arith.muli %add3A, %mul3A_1 : i32
    %mul3A_3 = arith.constant 640 : i32
    %mul3A_4 = arith.muli %arg1, %mul3A_3 : i32
    "tpu.region"() ({
      %run_scoped3A = tpu.sem_alloc : memref<!tpu.dma_semaphore, #tpu.memory_space<semaphore_mem>>
      tpu.enqueue_dma source(%arg4 : memref<64x128xf32, #tpu.memory_space<hbm>>) target(%arg11 : memref<64x128xf32, #tpu.memory_space<vmem>>) target_semaphore(%run_scoped3A : memref<!tpu.dma_semaphore, #tpu.memory_space<semaphore_mem>>)
      tpu.wait_dma2 semaphore(%run_scoped3A : memref<!tpu.dma_semaphore, #tpu.memory_space<semaphore_mem>>) src(%arg4 : memref<64x128xf32, #tpu.memory_space<hbm>>) dst(%arg11 : memref<64x128xf32, #tpu.memory_space<vmem>>)
      tpu.yield
    }) : () -> ()
    "tpu.region"() ({
      %run_scoped3A = tpu.sem_alloc : memref<!tpu.dma_semaphore, #tpu.memory_space<semaphore_mem>>
      tpu.enqueue_dma source(%arg3 : memref<64x128xf32, #tpu.memory_space<hbm>>) target(%arg12 : memref<64x128xf32, #tpu.memory_space<vmem>>) target_semaphore(%run_scoped3A : memref<!tpu.dma_semaphore, #tpu.memory_space<semaphore_mem>>)
      tpu.wait_dma2 semaphore(%run_scoped3A : memref<!tpu.dma_semaphore, #tpu.memory_space<semaphore_mem>>) src(%arg3 : memref<64x128xf32, #tpu.memory_space<hbm>>) dst(%arg12 : memref<64x128xf32, #tpu.memory_space<vmem>>)
      tpu.yield
    }) : () -> ()
    %scan3A = arith.constant 0 : i32
    %scan3A_5 = arith.constant 0 : i32
    %scan3A_6 = arith.constant 10 : i32
    %scan3A_7 = arith.addi %scan3A_5, %scan3A_6 : i32
    %scan3A_8 = arith.constant 1 : i32
    scf.for %scan3A_272 = %scan3A_5 to %scan3A_7 step %scan3A_8  : i32 {
      %mul3A_273 = arith.constant 64 : i32
      %mul3A_274 = arith.muli %scan3A_272, %mul3A_273 : i32
      %add3A_275 = arith.addi %mul3A_4, %mul3A_274 : i32
      "tpu.region"() ({
        %run_scoped3A = tpu.sem_alloc : memref<!tpu.dma_semaphore, #tpu.memory_space<semaphore_mem>>
        %dma_start3A_276 = arith.constant 0 : i32
        %dma_start3A_277 = tpu.memref_slice %arg26[%add3A_275, %dma_start3A_276] : memref<10240x128xf32, #tpu.memory_space<vmem_shared>> -> memref<64x128xf32, #tpu.memory_space<vmem_shared>>
        %dma_start3A_278 = arith.constant 0 : i32
        %dma_start3A_279 = tpu.memref_slice %arg26[%add3A_275, %dma_start3A_278] : memref<10240x128xf32, #tpu.memory_space<vmem_shared>> -> memref<64x128xf32, #tpu.memory_space<vmem_shared>>
        tpu.enqueue_dma source(%arg12 : memref<64x128xf32, #tpu.memory_space<vmem>>) target(%dma_start3A_279 : memref<64x128xf32, #tpu.memory_space<vmem_shared>>) target_semaphore(%run_scoped3A : memref<!tpu.dma_semaphore, #tpu.memory_space<semaphore_mem>>)
        %dma_wait3A_280 = arith.constant 0 : i32
        %dma_wait3A_281 = tpu.memref_slice %arg26[%add3A_275, %dma_wait3A_280] : memref<10240x128xf32, #tpu.memory_space<vmem_shared>> -> memref<64x128xf32, #tpu.memory_space<vmem_shared>>
        %dma_wait3A_282 = arith.constant 0 : i32
        %dma_wait3A_283 = tpu.memref_slice %arg26[%add3A_275, %dma_wait3A_282] : memref<10240x128xf32, #tpu.memory_space<vmem_shared>> -> memref<64x128xf32, #tpu.memory_space<vmem_shared>>
        tpu.wait_dma2 semaphore(%run_scoped3A : memref<!tpu.dma_semaphore, #tpu.memory_space<semaphore_mem>>) src(%arg12 : memref<64x128xf32, #tpu.memory_space<vmem>>) dst(%dma_wait3A_283 : memref<64x128xf32, #tpu.memory_space<vmem_shared>>)
        tpu.yield
      }) : () -> ()
    }
    %scan3A_9 = arith.constant 10 : i32
    %barrier3A = arith.constant 0 : index
    tpu.barrier barrier_id(%barrier3A)
    %add3A_10 = arith.constant 0 : i32
    %add3A_11 = arith.addi %mul3A_2, %add3A_10 : i32
    %dma_start3A = tpu.memref_slice %arg2[%add3A_11] : memref<327680xi32, #tpu.memory_space<hbm>> -> memref<64xi32, #tpu.memory_space<hbm>>
    %dma_start3A_12 = tpu.memref_slice %arg2[%add3A_11] : memref<327680xi32, #tpu.memory_space<hbm>> -> memref<64xi32, #tpu.memory_space<hbm>>
    tpu.enqueue_dma source(%dma_start3A_12 : memref<64xi32, #tpu.memory_space<hbm>>) target(%arg6 : memref<64xi32, #tpu.memory_space<vmem>>) target_semaphore(%arg14 : memref<!tpu.dma_semaphore, #tpu.memory_space<semaphore_mem>>)
    %add3A_13 = arith.constant 64 : i32
    %add3A_14 = arith.addi %mul3A_2, %add3A_13 : i32
    %dma_start3A_15 = tpu.memref_slice %arg2[%add3A_14] : memref<327680xi32, #tpu.memory_space<hbm>> -> memref<64xi32, #tpu.memory_space<hbm>>
    %dma_start3A_16 = tpu.memref_slice %arg2[%add3A_14] : memref<327680xi32, #tpu.memory_space<hbm>> -> memref<64xi32, #tpu.memory_space<hbm>>
    tpu.enqueue_dma source(%dma_start3A_16 : memref<64xi32, #tpu.memory_space<hbm>>) target(%arg7 : memref<64xi32, #tpu.memory_space<vmem>>) target_semaphore(%arg15 : memref<!tpu.dma_semaphore, #tpu.memory_space<semaphore_mem>>)
    %scan3A_17 = arith.constant 0 : i32
    %scan3A_18 = arith.constant 0 : i32
    %scan3A_19 = arith.constant 32 : i32
    %scan3A_20 = arith.addi %scan3A_18, %scan3A_19 : i32
    %scan3A_21 = arith.constant 1 : i32
    scf.for %scan3A_272 = %scan3A_18 to %scan3A_20 step %scan3A_21  : i32 {
      %mul3A_273 = arith.constant 5 : i32
      %mul3A_274 = arith.muli %scan3A_272, %mul3A_273 : i32
      %add3A_275 = arith.constant 0 : i32
      %add3A_276 = arith.addi %mul3A_274, %add3A_275 : i32
      %ge3A = arith.constant 3 : i32
      %ge3A_277 = arith.cmpi sge, %add3A_276, %ge3A : i32
      %convert_element_type3A = arith.extui %ge3A_277 : i1 to i32
      %cond3A = arith.constant 0 : i32
      %cond3A_278 = arith.cmpi ne, %convert_element_type3A, %cond3A : i32
      scf.if %cond3A_278 {
        %dma_wait3A_389 = arith.constant 0 : i32
        %dma_wait3A_390 = arith.constant 0 : i32
        %dma_wait3A_391 = tpu.memref_slice %arg26[%dma_wait3A_389, %dma_wait3A_390] : memref<10240x128xf32, #tpu.memory_space<vmem_shared>> -> memref<10240x128xf32, #tpu.memory_space<vmem_shared>>
        tpu.wait_indirect_dma semaphore(%arg21 : memref<!tpu.dma_semaphore, #tpu.memory_space<semaphore_mem>>) src(%arg11 : memref<64x128xf32, #tpu.memory_space<vmem>>) dst(%dma_wait3A_391 : memref<10240x128xf32, #tpu.memory_space<vmem_shared>>)
      } else {
      }
      %add3A_279 = arith.constant 2 : i32
      %add3A_280 = arith.addi %add3A_276, %add3A_279 : i32
      %lt3A = arith.constant 160 : i32
      %lt3A_281 = arith.cmpi slt, %add3A_280, %lt3A : i32
      %convert_element_type3A_282 = arith.extui %lt3A_281 : i1 to i32
      %cond3A_283 = arith.constant 0 : i32
      %cond3A_284 = arith.cmpi ne, %convert_element_type3A_282, %cond3A_283 : i32
      scf.if %cond3A_284 {
        %add3A_389 = arith.constant 2 : i32
        %add3A_390 = arith.addi %add3A_276, %add3A_389 : i32
        %mul3A_391 = arith.constant 64 : i32
        %mul3A_392 = arith.muli %add3A_390, %mul3A_391 : i32
        %add3A_393 = arith.addi %mul3A_2, %mul3A_392 : i32
        %dma_start3A_394 = tpu.memref_slice %arg2[%add3A_393] : memref<327680xi32, #tpu.memory_space<hbm>> -> memref<64xi32, #tpu.memory_space<hbm>>
        %dma_start3A_395 = tpu.memref_slice %arg2[%add3A_393] : memref<327680xi32, #tpu.memory_space<hbm>> -> memref<64xi32, #tpu.memory_space<hbm>>
        tpu.enqueue_dma source(%dma_start3A_395 : memref<64xi32, #tpu.memory_space<hbm>>) target(%arg8 : memref<64xi32, #tpu.memory_space<vmem>>) target_semaphore(%arg16 : memref<!tpu.dma_semaphore, #tpu.memory_space<semaphore_mem>>)
      } else {
      }
      %mul3A_285 = arith.constant 64 : i32
      %mul3A_286 = arith.muli %add3A_276, %mul3A_285 : i32
      %add3A_287 = arith.addi %mul3A_2, %mul3A_286 : i32
      %dma_wait3A_288 = tpu.memref_slice %arg2[%add3A_287] : memref<327680xi32, #tpu.memory_space<hbm>> -> memref<64xi32, #tpu.memory_space<hbm>>
      %dma_wait3A_289 = tpu.memref_slice %arg2[%add3A_287] : memref<327680xi32, #tpu.memory_space<hbm>> -> memref<64xi32, #tpu.memory_space<hbm>>
      tpu.wait_dma2 semaphore(%arg14 : memref<!tpu.dma_semaphore, #tpu.memory_space<semaphore_mem>>) src(%dma_wait3A_289 : memref<64xi32, #tpu.memory_space<hbm>>) dst(%arg6 : memref<64xi32, #tpu.memory_space<vmem>>)
      %dma_start3A_290 = arith.constant 0 : i32
      %dma_start3A_291 = arith.constant 0 : i32
      %dma_start3A_292 = tpu.memref_slice %arg26[%dma_start3A_290, %dma_start3A_291] : memref<10240x128xf32, #tpu.memory_space<vmem_shared>> -> memref<10240x128xf32, #tpu.memory_space<vmem_shared>>
      tpu.enqueue_indirect_dma source(%arg11 : memref<64x128xf32, #tpu.memory_space<vmem>>) target(%dma_start3A_292 : memref<10240x128xf32, #tpu.memory_space<vmem_shared>>) offsets(%arg6 : memref<64xi32, #tpu.memory_space<vmem>>) semaphore(%arg19 : memref<!tpu.dma_semaphore, #tpu.memory_space<semaphore_mem>>) {add = true}
      %mul3A_293 = arith.constant 5 : i32
      %mul3A_294 = arith.muli %scan3A_272, %mul3A_293 : i32
      %add3A_295 = arith.constant 1 : i32
      %add3A_296 = arith.addi %mul3A_294, %add3A_295 : i32
      %ge3A_297 = arith.constant 3 : i32
      %ge3A_298 = arith.cmpi sge, %add3A_296, %ge3A_297 : i32
      %convert_element_type3A_299 = arith.extui %ge3A_298 : i1 to i32
      %cond3A_300 = arith.constant 0 : i32
      %cond3A_301 = arith.cmpi ne, %convert_element_type3A_299, %cond3A_300 : i32
      scf.if %cond3A_301 {
        %dma_wait3A_389 = arith.constant 0 : i32
        %dma_wait3A_390 = arith.constant 0 : i32
        %dma_wait3A_391 = tpu.memref_slice %arg26[%dma_wait3A_389, %dma_wait3A_390] : memref<10240x128xf32, #tpu.memory_space<vmem_shared>> -> memref<10240x128xf32, #tpu.memory_space<vmem_shared>>
        tpu.wait_indirect_dma semaphore(%arg22 : memref<!tpu.dma_semaphore, #tpu.memory_space<semaphore_mem>>) src(%arg11 : memref<64x128xf32, #tpu.memory_space<vmem>>) dst(%dma_wait3A_391 : memref<10240x128xf32, #tpu.memory_space<vmem_shared>>)
      } else {
      }
      %add3A_302 = arith.constant 2 : i32
      %add3A_303 = arith.addi %add3A_296, %add3A_302 : i32
      %lt3A_304 = arith.constant 160 : i32
      %lt3A_305 = arith.cmpi slt, %add3A_303, %lt3A_304 : i32
      %convert_element_type3A_306 = arith.extui %lt3A_305 : i1 to i32
      %cond3A_307 = arith.constant 0 : i32
      %cond3A_308 = arith.cmpi ne, %convert_element_type3A_306, %cond3A_307 : i32
      scf.if %cond3A_308 {
        %add3A_389 = arith.constant 2 : i32
        %add3A_390 = arith.addi %add3A_296, %add3A_389 : i32
        %mul3A_391 = arith.constant 64 : i32
        %mul3A_392 = arith.muli %add3A_390, %mul3A_391 : i32
        %add3A_393 = arith.addi %mul3A_2, %mul3A_392 : i32
        %dma_start3A_394 = tpu.memref_slice %arg2[%add3A_393] : memref<327680xi32, #tpu.memory_space<hbm>> -> memref<64xi32, #tpu.memory_space<hbm>>
        %dma_start3A_395 = tpu.memref_slice %arg2[%add3A_393] : memref<327680xi32, #tpu.memory_space<hbm>> -> memref<64xi32, #tpu.memory_space<hbm>>
        tpu.enqueue_dma source(%dma_start3A_395 : memref<64xi32, #tpu.memory_space<hbm>>) target(%arg9 : memref<64xi32, #tpu.memory_space<vmem>>) target_semaphore(%arg17 : memref<!tpu.dma_semaphore, #tpu.memory_space<semaphore_mem>>)
      } else {
      }
      %mul3A_309 = arith.constant 64 : i32
      %mul3A_310 = arith.muli %add3A_296, %mul3A_309 : i32
      %add3A_311 = arith.addi %mul3A_2, %mul3A_310 : i32
      %dma_wait3A_312 = tpu.memref_slice %arg2[%add3A_311] : memref<327680xi32, #tpu.memory_space<hbm>> -> memref<64xi32, #tpu.memory_space<hbm>>
      %dma_wait3A_313 = tpu.memref_slice %arg2[%add3A_311] : memref<327680xi32, #tpu.memory_space<hbm>> -> memref<64xi32, #tpu.memory_space<hbm>>
      tpu.wait_dma2 semaphore(%arg15 : memref<!tpu.dma_semaphore, #tpu.memory_space<semaphore_mem>>) src(%dma_wait3A_313 : memref<64xi32, #tpu.memory_space<hbm>>) dst(%arg7 : memref<64xi32, #tpu.memory_space<vmem>>)
      %dma_start3A_314 = arith.constant 0 : i32
      %dma_start3A_315 = arith.constant 0 : i32
      %dma_start3A_316 = tpu.memref_slice %arg26[%dma_start3A_314, %dma_start3A_315] : memref<10240x128xf32, #tpu.memory_space<vmem_shared>> -> memref<10240x128xf32, #tpu.memory_space<vmem_shared>>
      tpu.enqueue_indirect_dma source(%arg11 : memref<64x128xf32, #tpu.memory_space<vmem>>) target(%dma_start3A_316 : memref<10240x128xf32, #tpu.memory_space<vmem_shared>>) offsets(%arg7 : memref<64xi32, #tpu.memory_space<vmem>>) semaphore(%arg20 : memref<!tpu.dma_semaphore, #tpu.memory_space<semaphore_mem>>) {add = true}
      %mul3A_317 = arith.constant 5 : i32
      %mul3A_318 = arith.muli %scan3A_272, %mul3A_317 : i32
      %add3A_319 = arith.constant 2 : i32
      %add3A_320 = arith.addi %mul3A_318, %add3A_319 : i32
      %ge3A_321 = arith.constant 3 : i32
      %ge3A_322 = arith.cmpi sge, %add3A_320, %ge3A_321 : i32
      %convert_element_type3A_323 = arith.extui %ge3A_322 : i1 to i32
      %cond3A_324 = arith.constant 0 : i32
      %cond3A_325 = arith.cmpi ne, %convert_element_type3A_323, %cond3A_324 : i32
      scf.if %cond3A_325 {
        %dma_wait3A_389 = arith.constant 0 : i32
        %dma_wait3A_390 = arith.constant 0 : i32
        %dma_wait3A_391 = tpu.memref_slice %arg26[%dma_wait3A_389, %dma_wait3A_390] : memref<10240x128xf32, #tpu.memory_space<vmem_shared>> -> memref<10240x128xf32, #tpu.memory_space<vmem_shared>>
        tpu.wait_indirect_dma semaphore(%arg23 : memref<!tpu.dma_semaphore, #tpu.memory_space<semaphore_mem>>) src(%arg11 : memref<64x128xf32, #tpu.memory_space<vmem>>) dst(%dma_wait3A_391 : memref<10240x128xf32, #tpu.memory_space<vmem_shared>>)
      } else {
      }
      %add3A_326 = arith.constant 2 : i32
      %add3A_327 = arith.addi %add3A_320, %add3A_326 : i32
      %lt3A_328 = arith.constant 160 : i32
      %lt3A_329 = arith.cmpi slt, %add3A_327, %lt3A_328 : i32
      %convert_element_type3A_330 = arith.extui %lt3A_329 : i1 to i32
      %cond3A_331 = arith.constant 0 : i32
      %cond3A_332 = arith.cmpi ne, %convert_element_type3A_330, %cond3A_331 : i32
      scf.if %cond3A_332 {
        %add3A_389 = arith.constant 2 : i32
        %add3A_390 = arith.addi %add3A_320, %add3A_389 : i32
        %mul3A_391 = arith.constant 64 : i32
        %mul3A_392 = arith.muli %add3A_390, %mul3A_391 : i32
        %add3A_393 = arith.addi %mul3A_2, %mul3A_392 : i32
        %dma_start3A_394 = tpu.memref_slice %arg2[%add3A_393] : memref<327680xi32, #tpu.memory_space<hbm>> -> memref<64xi32, #tpu.memory_space<hbm>>
        %dma_start3A_395 = tpu.memref_slice %arg2[%add3A_393] : memref<327680xi32, #tpu.memory_space<hbm>> -> memref<64xi32, #tpu.memory_space<hbm>>
        tpu.enqueue_dma source(%dma_start3A_395 : memref<64xi32, #tpu.memory_space<hbm>>) target(%arg10 : memref<64xi32, #tpu.memory_space<vmem>>) target_semaphore(%arg18 : memref<!tpu.dma_semaphore, #tpu.memory_space<semaphore_mem>>)
      } else {
      }
      %mul3A_333 = arith.constant 64 : i32
      %mul3A_334 = arith.muli %add3A_320, %mul3A_333 : i32
      %add3A_335 = arith.addi %mul3A_2, %mul3A_334 : i32
      %dma_wait3A_336 = tpu.memref_slice %arg2[%add3A_335] : memref<327680xi32, #tpu.memory_space<hbm>> -> memref<64xi32, #tpu.memory_space<hbm>>
      %dma_wait3A_337 = tpu.memref_slice %arg2[%add3A_335] : memref<327680xi32, #tpu.memory_space<hbm>> -> memref<64xi32, #tpu.memory_space<hbm>>
      tpu.wait_dma2 semaphore(%arg16 : memref<!tpu.dma_semaphore, #tpu.memory_space<semaphore_mem>>) src(%dma_wait3A_337 : memref<64xi32, #tpu.memory_space<hbm>>) dst(%arg8 : memref<64xi32, #tpu.memory_space<vmem>>)
      %dma_start3A_338 = arith.constant 0 : i32
      %dma_start3A_339 = arith.constant 0 : i32
      %dma_start3A_340 = tpu.memref_slice %arg26[%dma_start3A_338, %dma_start3A_339] : memref<10240x128xf32, #tpu.memory_space<vmem_shared>> -> memref<10240x128xf32, #tpu.memory_space<vmem_shared>>
      tpu.enqueue_indirect_dma source(%arg11 : memref<64x128xf32, #tpu.memory_space<vmem>>) target(%dma_start3A_340 : memref<10240x128xf32, #tpu.memory_space<vmem_shared>>) offsets(%arg8 : memref<64xi32, #tpu.memory_space<vmem>>) semaphore(%arg21 : memref<!tpu.dma_semaphore, #tpu.memory_space<semaphore_mem>>) {add = true}
      %mul3A_341 = arith.constant 5 : i32
      %mul3A_342 = arith.muli %scan3A_272, %mul3A_341 : i32
      %add3A_343 = arith.constant 3 : i32
      %add3A_344 = arith.addi %mul3A_342, %add3A_343 : i32
      %ge3A_345 = arith.constant 3 : i32
      %ge3A_346 = arith.cmpi sge, %add3A_344, %ge3A_345 : i32
      %convert_element_type3A_347 = arith.extui %ge3A_346 : i1 to i32
      %cond3A_348 = arith.constant 0 : i32
      %cond3A_349 = arith.cmpi ne, %convert_element_type3A_347, %cond3A_348 : i32
      scf.if %cond3A_349 {
        %dma_wait3A_389 = arith.constant 0 : i32
        %dma_wait3A_390 = arith.constant 0 : i32
        %dma_wait3A_391 = tpu.memref_slice %arg26[%dma_wait3A_389, %dma_wait3A_390] : memref<10240x128xf32, #tpu.memory_space<vmem_shared>> -> memref<10240x128xf32, #tpu.memory_space<vmem_shared>>
        tpu.wait_indirect_dma semaphore(%arg19 : memref<!tpu.dma_semaphore, #tpu.memory_space<semaphore_mem>>) src(%arg11 : memref<64x128xf32, #tpu.memory_space<vmem>>) dst(%dma_wait3A_391 : memref<10240x128xf32, #tpu.memory_space<vmem_shared>>)
      } else {
      }
      %add3A_350 = arith.constant 2 : i32
      %add3A_351 = arith.addi %add3A_344, %add3A_350 : i32
      %lt3A_352 = arith.constant 160 : i32
      %lt3A_353 = arith.cmpi slt, %add3A_351, %lt3A_352 : i32
      %convert_element_type3A_354 = arith.extui %lt3A_353 : i1 to i32
      %cond3A_355 = arith.constant 0 : i32
      %cond3A_356 = arith.cmpi ne, %convert_element_type3A_354, %cond3A_355 : i32
      scf.if %cond3A_356 {
        %add3A_389 = arith.constant 2 : i32
        %add3A_390 = arith.addi %add3A_344, %add3A_389 : i32
        %mul3A_391 = arith.constant 64 : i32
        %mul3A_392 = arith.muli %add3A_390, %mul3A_391 : i32
        %add3A_393 = arith.addi %mul3A_2, %mul3A_392 : i32
        %dma_start3A_394 = tpu.memref_slice %arg2[%add3A_393] : memref<327680xi32, #tpu.memory_space<hbm>> -> memref<64xi32, #tpu.memory_space<hbm>>
        %dma_start3A_395 = tpu.memref_slice %arg2[%add3A_393] : memref<327680xi32, #tpu.memory_space<hbm>> -> memref<64xi32, #tpu.memory_space<hbm>>
        tpu.enqueue_dma source(%dma_start3A_395 : memref<64xi32, #tpu.memory_space<hbm>>) target(%arg6 : memref<64xi32, #tpu.memory_space<vmem>>) target_semaphore(%arg14 : memref<!tpu.dma_semaphore, #tpu.memory_space<semaphore_mem>>)
      } else {
      }
      %mul3A_357 = arith.constant 64 : i32
      %mul3A_358 = arith.muli %add3A_344, %mul3A_357 : i32
      %add3A_359 = arith.addi %mul3A_2, %mul3A_358 : i32
      %dma_wait3A_360 = tpu.memref_slice %arg2[%add3A_359] : memref<327680xi32, #tpu.memory_space<hbm>> -> memref<64xi32, #tpu.memory_space<hbm>>
      %dma_wait3A_361 = tpu.memref_slice %arg2[%add3A_359] : memref<327680xi32, #tpu.memory_space<hbm>> -> memref<64xi32, #tpu.memory_space<hbm>>
      tpu.wait_dma2 semaphore(%arg17 : memref<!tpu.dma_semaphore, #tpu.memory_space<semaphore_mem>>) src(%dma_wait3A_361 : memref<64xi32, #tpu.memory_space<hbm>>) dst(%arg9 : memref<64xi32, #tpu.memory_space<vmem>>)
      %dma_start3A_362 = arith.constant 0 : i32
      %dma_start3A_363 = arith.constant 0 : i32
      %dma_start3A_364 = tpu.memref_slice %arg26[%dma_start3A_362, %dma_start3A_363] : memref<10240x128xf32, #tpu.memory_space<vmem_shared>> -> memref<10240x128xf32, #tpu.memory_space<vmem_shared>>
      tpu.enqueue_indirect_dma source(%arg11 : memref<64x128xf32, #tpu.memory_space<vmem>>) target(%dma_start3A_364 : memref<10240x128xf32, #tpu.memory_space<vmem_shared>>) offsets(%arg9 : memref<64xi32, #tpu.memory_space<vmem>>) semaphore(%arg22 : memref<!tpu.dma_semaphore, #tpu.memory_space<semaphore_mem>>) {add = true}
      %mul3A_365 = arith.constant 5 : i32
      %mul3A_366 = arith.muli %scan3A_272, %mul3A_365 : i32
      %add3A_367 = arith.constant 4 : i32
      %add3A_368 = arith.addi %mul3A_366, %add3A_367 : i32
      %ge3A_369 = arith.constant 3 : i32
      %ge3A_370 = arith.cmpi sge, %add3A_368, %ge3A_369 : i32
      %convert_element_type3A_371 = arith.extui %ge3A_370 : i1 to i32
      %cond3A_372 = arith.constant 0 : i32
      %cond3A_373 = arith.cmpi ne, %convert_element_type3A_371, %cond3A_372 : i32
      scf.if %cond3A_373 {
        %dma_wait3A_389 = arith.constant 0 : i32
        %dma_wait3A_390 = arith.constant 0 : i32
        %dma_wait3A_391 = tpu.memref_slice %arg26[%dma_wait3A_389, %dma_wait3A_390] : memref<10240x128xf32, #tpu.memory_space<vmem_shared>> -> memref<10240x128xf32, #tpu.memory_space<vmem_shared>>
        tpu.wait_indirect_dma semaphore(%arg20 : memref<!tpu.dma_semaphore, #tpu.memory_space<semaphore_mem>>) src(%arg11 : memref<64x128xf32, #tpu.memory_space<vmem>>) dst(%dma_wait3A_391 : memref<10240x128xf32, #tpu.memory_space<vmem_shared>>)
      } else {
      }
      %add3A_374 = arith.constant 2 : i32
      %add3A_375 = arith.addi %add3A_368, %add3A_374 : i32
      %lt3A_376 = arith.constant 160 : i32
      %lt3A_377 = arith.cmpi slt, %add3A_375, %lt3A_376 : i32
      %convert_element_type3A_378 = arith.extui %lt3A_377 : i1 to i32
      %cond3A_379 = arith.constant 0 : i32
      %cond3A_380 = arith.cmpi ne, %convert_element_type3A_378, %cond3A_379 : i32
      scf.if %cond3A_380 {
        %add3A_389 = arith.constant 2 : i32
        %add3A_390 = arith.addi %add3A_368, %add3A_389 : i32
        %mul3A_391 = arith.constant 64 : i32
        %mul3A_392 = arith.muli %add3A_390, %mul3A_391 : i32
        %add3A_393 = arith.addi %mul3A_2, %mul3A_392 : i32
        %dma_start3A_394 = tpu.memref_slice %arg2[%add3A_393] : memref<327680xi32, #tpu.memory_space<hbm>> -> memref<64xi32, #tpu.memory_space<hbm>>
        %dma_start3A_395 = tpu.memref_slice %arg2[%add3A_393] : memref<327680xi32, #tpu.memory_space<hbm>> -> memref<64xi32, #tpu.memory_space<hbm>>
        tpu.enqueue_dma source(%dma_start3A_395 : memref<64xi32, #tpu.memory_space<hbm>>) target(%arg7 : memref<64xi32, #tpu.memory_space<vmem>>) target_semaphore(%arg15 : memref<!tpu.dma_semaphore, #tpu.memory_space<semaphore_mem>>)
      } else {
      }
      %mul3A_381 = arith.constant 64 : i32
      %mul3A_382 = arith.muli %add3A_368, %mul3A_381 : i32
      %add3A_383 = arith.addi %mul3A_2, %mul3A_382 : i32
      %dma_wait3A_384 = tpu.memref_slice %arg2[%add3A_383] : memref<327680xi32, #tpu.memory_space<hbm>> -> memref<64xi32, #tpu.memory_space<hbm>>
      %dma_wait3A_385 = tpu.memref_slice %arg2[%add3A_383] : memref<327680xi32, #tpu.memory_space<hbm>> -> memref<64xi32, #tpu.memory_space<hbm>>
      tpu.wait_dma2 semaphore(%arg18 : memref<!tpu.dma_semaphore, #tpu.memory_space<semaphore_mem>>) src(%dma_wait3A_385 : memref<64xi32, #tpu.memory_space<hbm>>) dst(%arg10 : memref<64xi32, #tpu.memory_space<vmem>>)
      %dma_start3A_386 = arith.constant 0 : i32
      %dma_start3A_387 = arith.constant 0 : i32
      %dma_start3A_388 = tpu.memref_slice %arg26[%dma_start3A_386, %dma_start3A_387] : memref<10240x128xf32, #tpu.memory_space<vmem_shared>> -> memref<10240x128xf32, #tpu.memory_space<vmem_shared>>
      tpu.enqueue_indirect_dma source(%arg11 : memref<64x128xf32, #tpu.memory_space<vmem>>) target(%dma_start3A_388 : memref<10240x128xf32, #tpu.memory_space<vmem_shared>>) offsets(%arg10 : memref<64xi32, #tpu.memory_space<vmem>>) semaphore(%arg23 : memref<!tpu.dma_semaphore, #tpu.memory_space<semaphore_mem>>) {add = true}
    }
    %scan3A_22 = arith.constant 32 : i32
    %dma_wait3A = arith.constant 0 : i32
    %dma_wait3A_23 = arith.constant 0 : i32
    %dma_wait3A_24 = tpu.memref_slice %arg26[%dma_wait3A, %dma_wait3A_23] : memref<10240x128xf32, #tpu.memory_space<vmem_shared>> -> memref<10240x128xf32, #tpu.memory_space<vmem_shared>>
    tpu.wait_indirect_dma semaphore(%arg21 : memref<!tpu.dma_semaphore, #tpu.memory_space<semaphore_mem>>) src(%arg11 : memref<64x128xf32, #tpu.memory_space<vmem>>) dst(%dma_wait3A_24 : memref<10240x128xf32, #tpu.memory_space<vmem_shared>>)
    %dma_wait3A_25 = arith.constant 0 : i32
    %dma_wait3A_26 = arith.constant 0 : i32
    %dma_wait3A_27 = tpu.memref_slice %arg26[%dma_wait3A_25, %dma_wait3A_26] : memref<10240x128xf32, #tpu.memory_space<vmem_shared>> -> memref<10240x128xf32, #tpu.memory_space<vmem_shared>>
    tpu.wait_indirect_dma semaphore(%arg22 : memref<!tpu.dma_semaphore, #tpu.memory_space<semaphore_mem>>) src(%arg11 : memref<64x128xf32, #tpu.memory_space<vmem>>) dst(%dma_wait3A_27 : memref<10240x128xf32, #tpu.memory_space<vmem_shared>>)
    %dma_wait3A_28 = arith.constant 0 : i32
    %dma_wait3A_29 = arith.constant 0 : i32
    %dma_wait3A_30 = tpu.memref_slice %arg26[%dma_wait3A_28, %dma_wait3A_29] : memref<10240x128xf32, #tpu.memory_space<vmem_shared>> -> memref<10240x128xf32, #tpu.memory_space<vmem_shared>>
    tpu.wait_indirect_dma semaphore(%arg23 : memref<!tpu.dma_semaphore, #tpu.memory_space<semaphore_mem>>) src(%arg11 : memref<64x128xf32, #tpu.memory_space<vmem>>) dst(%dma_wait3A_30 : memref<10240x128xf32, #tpu.memory_space<vmem_shared>>)
    %barrier3A_31 = arith.constant 0 : index
    tpu.barrier barrier_id(%barrier3A_31)
    %add3A_32 = arith.constant 0 : i32
    %add3A_33 = arith.addi %mul3A_4, %add3A_32 : i32
    %dma_start3A_34 = arith.constant 0 : i32
    %dma_start3A_35 = tpu.memref_slice %arg26[%add3A_33, %dma_start3A_34] : memref<10240x128xf32, #tpu.memory_space<vmem_shared>> -> memref<64x128xf32, #tpu.memory_space<vmem_shared>>
    %dma_start3A_36 = arith.constant 0 : i32
    %dma_start3A_37 = tpu.memref_slice %arg26[%add3A_33, %dma_start3A_36] : memref<10240x128xf32, #tpu.memory_space<vmem_shared>> -> memref<64x128xf32, #tpu.memory_space<vmem_shared>>
    tpu.enqueue_dma source(%dma_start3A_37 : memref<64x128xf32, #tpu.memory_space<vmem_shared>>) target(%arg12 : memref<64x128xf32, #tpu.memory_space<vmem>>) target_semaphore(%arg19 : memref<!tpu.dma_semaphore, #tpu.memory_space<semaphore_mem>>)
    %dma_wait3A_38 = arith.constant 0 : i32
    %dma_wait3A_39 = tpu.memref_slice %arg26[%add3A_33, %dma_wait3A_38] : memref<10240x128xf32, #tpu.memory_space<vmem_shared>> -> memref<64x128xf32, #tpu.memory_space<vmem_shared>>
    %dma_wait3A_40 = arith.constant 0 : i32
    %dma_wait3A_41 = tpu.memref_slice %arg26[%add3A_33, %dma_wait3A_40] : memref<10240x128xf32, #tpu.memory_space<vmem_shared>> -> memref<64x128xf32, #tpu.memory_space<vmem_shared>>
    tpu.wait_dma2 semaphore(%arg19 : memref<!tpu.dma_semaphore, #tpu.memory_space<semaphore_mem>>) src(%dma_wait3A_41 : memref<64x128xf32, #tpu.memory_space<vmem_shared>>) dst(%arg12 : memref<64x128xf32, #tpu.memory_space<vmem>>)
    %dma_start3A_42 = arith.constant 0 : i32
    %dma_start3A_43 = tpu.memref_slice %arg5[%arg0, %add3A_33, %dma_start3A_42] : memref<2x10240x128xf32, #tpu.memory_space<hbm>> -> memref<1x64x128xf32, #tpu.memory_space<hbm>>
    %dma_start3A_44 = tpu.memref_squeeze %dma_start3A_43 : memref<1x64x128xf32, #tpu.memory_space<hbm>> -> memref<64x128xf32, #tpu.memory_space<hbm>>
    %dma_start3A_45 = arith.constant 0 : i32
    %dma_start3A_46 = tpu.memref_slice %arg5[%arg0, %add3A_33, %dma_start3A_45] : memref<2x10240x128xf32, #tpu.memory_space<hbm>> -> memref<1x64x128xf32, #tpu.memory_space<hbm>>
    %dma_start3A_47 = tpu.memref_squeeze %dma_start3A_46 : memref<1x64x128xf32, #tpu.memory_space<hbm>> -> memref<64x128xf32, #tpu.memory_space<hbm>>
    tpu.enqueue_dma source(%arg12 : memref<64x128xf32, #tpu.memory_space<vmem>>) target(%dma_start3A_47 : memref<64x128xf32, #tpu.memory_space<hbm>>) target_semaphore(%arg24 : memref<!tpu.dma_semaphore, #tpu.memory_space<semaphore_mem>>)
    %add3A_48 = arith.constant 64 : i32
    %add3A_49 = arith.addi %mul3A_4, %add3A_48 : i32
    %dma_start3A_50 = arith.constant 0 : i32
    %dma_start3A_51 = tpu.memref_slice %arg26[%add3A_49, %dma_start3A_50] : memref<10240x128xf32, #tpu.memory_space<vmem_shared>> -> memref<64x128xf32, #tpu.memory_space<vmem_shared>>
    %dma_start3A_52 = arith.constant 0 : i32
    %dma_start3A_53 = tpu.memref_slice %arg26[%add3A_49, %dma_start3A_52] : memref<10240x128xf32, #tpu.memory_space<vmem_shared>> -> memref<64x128xf32, #tpu.memory_space<vmem_shared>>
    tpu.enqueue_dma source(%dma_start3A_53 : memref<64x128xf32, #tpu.memory_space<vmem_shared>>) target(%arg13 : memref<64x128xf32, #tpu.memory_space<vmem>>) target_semaphore(%arg20 : memref<!tpu.dma_semaphore, #tpu.memory_space<semaphore_mem>>)
    %dma_wait3A_54 = arith.constant 0 : i32
    %dma_wait3A_55 = tpu.memref_slice %arg26[%add3A_49, %dma_wait3A_54] : memref<10240x128xf32, #tpu.memory_space<vmem_shared>> -> memref<64x128xf32, #tpu.memory_space<vmem_shared>>
    %dma_wait3A_56 = arith.constant 0 : i32
    %dma_wait3A_57 = tpu.memref_slice %arg26[%add3A_49, %dma_wait3A_56] : memref<10240x128xf32, #tpu.memory_space<vmem_shared>> -> memref<64x128xf32, #tpu.memory_space<vmem_shared>>
    tpu.wait_dma2 semaphore(%arg20 : memref<!tpu.dma_semaphore, #tpu.memory_space<semaphore_mem>>) src(%dma_wait3A_57 : memref<64x128xf32, #tpu.memory_space<vmem_shared>>) dst(%arg13 : memref<64x128xf32, #tpu.memory_space<vmem>>)
    %dma_start3A_58 = arith.constant 0 : i32
    %dma_start3A_59 = tpu.memref_slice %arg5[%arg0, %add3A_49, %dma_start3A_58] : memref<2x10240x128xf32, #tpu.memory_space<hbm>> -> memref<1x64x128xf32, #tpu.memory_space<hbm>>
    %dma_start3A_60 = tpu.memref_squeeze %dma_start3A_59 : memref<1x64x128xf32, #tpu.memory_space<hbm>> -> memref<64x128xf32, #tpu.memory_space<hbm>>
    %dma_start3A_61 = arith.constant 0 : i32
    %dma_start3A_62 = tpu.memref_slice %arg5[%arg0, %add3A_49, %dma_start3A_61] : memref<2x10240x128xf32, #tpu.memory_space<hbm>> -> memref<1x64x128xf32, #tpu.memory_space<hbm>>
    %dma_start3A_63 = tpu.memref_squeeze %dma_start3A_62 : memref<1x64x128xf32, #tpu.memory_space<hbm>> -> memref<64x128xf32, #tpu.memory_space<hbm>>
    tpu.enqueue_dma source(%arg13 : memref<64x128xf32, #tpu.memory_space<vmem>>) target(%dma_start3A_63 : memref<64x128xf32, #tpu.memory_space<hbm>>) target_semaphore(%arg25 : memref<!tpu.dma_semaphore, #tpu.memory_space<semaphore_mem>>)
    %add3A_64 = arith.constant 0 : i32
    %add3A_65 = arith.addi %mul3A_4, %add3A_64 : i32
    %dma_wait3A_66 = arith.constant 0 : i32
    %dma_wait3A_67 = tpu.memref_slice %arg5[%arg0, %add3A_65, %dma_wait3A_66] : memref<2x10240x128xf32, #tpu.memory_space<hbm>> -> memref<1x64x128xf32, #tpu.memory_space<hbm>>
    %dma_wait3A_68 = tpu.memref_squeeze %dma_wait3A_67 : memref<1x64x128xf32, #tpu.memory_space<hbm>> -> memref<64x128xf32, #tpu.memory_space<hbm>>
    %dma_wait3A_69 = arith.constant 0 : i32
    %dma_wait3A_70 = tpu.memref_slice %arg5[%arg0, %add3A_65, %dma_wait3A_69] : memref<2x10240x128xf32, #tpu.memory_space<hbm>> -> memref<1x64x128xf32, #tpu.memory_space<hbm>>
    %dma_wait3A_71 = tpu.memref_squeeze %dma_wait3A_70 : memref<1x64x128xf32, #tpu.memory_space<hbm>> -> memref<64x128xf32, #tpu.memory_space<hbm>>
    tpu.wait_dma2 semaphore(%arg24 : memref<!tpu.dma_semaphore, #tpu.memory_space<semaphore_mem>>) src(%arg12 : memref<64x128xf32, #tpu.memory_space<vmem>>) dst(%dma_wait3A_71 : memref<64x128xf32, #tpu.memory_space<hbm>>)
    %add3A_72 = arith.constant 128 : i32
    %add3A_73 = arith.addi %mul3A_4, %add3A_72 : i32
    %dma_start3A_74 = arith.constant 0 : i32
    %dma_start3A_75 = tpu.memref_slice %arg26[%add3A_73, %dma_start3A_74] : memref<10240x128xf32, #tpu.memory_space<vmem_shared>> -> memref<64x128xf32, #tpu.memory_space<vmem_shared>>
    %dma_start3A_76 = arith.constant 0 : i32
    %dma_start3A_77 = tpu.memref_slice %arg26[%add3A_73, %dma_start3A_76] : memref<10240x128xf32, #tpu.memory_space<vmem_shared>> -> memref<64x128xf32, #tpu.memory_space<vmem_shared>>
    tpu.enqueue_dma source(%dma_start3A_77 : memref<64x128xf32, #tpu.memory_space<vmem_shared>>) target(%arg12 : memref<64x128xf32, #tpu.memory_space<vmem>>) target_semaphore(%arg19 : memref<!tpu.dma_semaphore, #tpu.memory_space<semaphore_mem>>)
    %dma_wait3A_78 = arith.constant 0 : i32
    %dma_wait3A_79 = tpu.memref_slice %arg26[%add3A_73, %dma_wait3A_78] : memref<10240x128xf32, #tpu.memory_space<vmem_shared>> -> memref<64x128xf32, #tpu.memory_space<vmem_shared>>
    %dma_wait3A_80 = arith.constant 0 : i32
    %dma_wait3A_81 = tpu.memref_slice %arg26[%add3A_73, %dma_wait3A_80] : memref<10240x128xf32, #tpu.memory_space<vmem_shared>> -> memref<64x128xf32, #tpu.memory_space<vmem_shared>>
    tpu.wait_dma2 semaphore(%arg19 : memref<!tpu.dma_semaphore, #tpu.memory_space<semaphore_mem>>) src(%dma_wait3A_81 : memref<64x128xf32, #tpu.memory_space<vmem_shared>>) dst(%arg12 : memref<64x128xf32, #tpu.memory_space<vmem>>)
    %dma_start3A_82 = arith.constant 0 : i32
    %dma_start3A_83 = tpu.memref_slice %arg5[%arg0, %add3A_73, %dma_start3A_82] : memref<2x10240x128xf32, #tpu.memory_space<hbm>> -> memref<1x64x128xf32, #tpu.memory_space<hbm>>
    %dma_start3A_84 = tpu.memref_squeeze %dma_start3A_83 : memref<1x64x128xf32, #tpu.memory_space<hbm>> -> memref<64x128xf32, #tpu.memory_space<hbm>>
    %dma_start3A_85 = arith.constant 0 : i32
    %dma_start3A_86 = tpu.memref_slice %arg5[%arg0, %add3A_73, %dma_start3A_85] : memref<2x10240x128xf32, #tpu.memory_space<hbm>> -> memref<1x64x128xf32, #tpu.memory_space<hbm>>
    %dma_start3A_87 = tpu.memref_squeeze %dma_start3A_86 : memref<1x64x128xf32, #tpu.memory_space<hbm>> -> memref<64x128xf32, #tpu.memory_space<hbm>>
    tpu.enqueue_dma source(%arg12 : memref<64x128xf32, #tpu.memory_space<vmem>>) target(%dma_start3A_87 : memref<64x128xf32, #tpu.memory_space<hbm>>) target_semaphore(%arg24 : memref<!tpu.dma_semaphore, #tpu.memory_space<semaphore_mem>>)
    %add3A_88 = arith.constant 64 : i32
    %add3A_89 = arith.addi %mul3A_4, %add3A_88 : i32
    %dma_wait3A_90 = arith.constant 0 : i32
    %dma_wait3A_91 = tpu.memref_slice %arg5[%arg0, %add3A_89, %dma_wait3A_90] : memref<2x10240x128xf32, #tpu.memory_space<hbm>> -> memref<1x64x128xf32, #tpu.memory_space<hbm>>
    %dma_wait3A_92 = tpu.memref_squeeze %dma_wait3A_91 : memref<1x64x128xf32, #tpu.memory_space<hbm>> -> memref<64x128xf32, #tpu.memory_space<hbm>>
    %dma_wait3A_93 = arith.constant 0 : i32
    %dma_wait3A_94 = tpu.memref_slice %arg5[%arg0, %add3A_89, %dma_wait3A_93] : memref<2x10240x128xf32, #tpu.memory_space<hbm>> -> memref<1x64x128xf32, #tpu.memory_space<hbm>>
    %dma_wait3A_95 = tpu.memref_squeeze %dma_wait3A_94 : memref<1x64x128xf32, #tpu.memory_space<hbm>> -> memref<64x128xf32, #tpu.memory_space<hbm>>
    tpu.wait_dma2 semaphore(%arg25 : memref<!tpu.dma_semaphore, #tpu.memory_space<semaphore_mem>>) src(%arg13 : memref<64x128xf32, #tpu.memory_space<vmem>>) dst(%dma_wait3A_95 : memref<64x128xf32, #tpu.memory_space<hbm>>)
    %add3A_96 = arith.constant 192 : i32
    %add3A_97 = arith.addi %mul3A_4, %add3A_96 : i32
    %dma_start3A_98 = arith.constant 0 : i32
    %dma_start3A_99 = tpu.memref_slice %arg26[%add3A_97, %dma_start3A_98] : memref<10240x128xf32, #tpu.memory_space<vmem_shared>> -> memref<64x128xf32, #tpu.memory_space<vmem_shared>>
    %dma_start3A_100 = arith.constant 0 : i32
    %dma_start3A_101 = tpu.memref_slice %arg26[%add3A_97, %dma_start3A_100] : memref<10240x128xf32, #tpu.memory_space<vmem_shared>> -> memref<64x128xf32, #tpu.memory_space<vmem_shared>>
    tpu.enqueue_dma source(%dma_start3A_101 : memref<64x128xf32, #tpu.memory_space<vmem_shared>>) target(%arg13 : memref<64x128xf32, #tpu.memory_space<vmem>>) target_semaphore(%arg20 : memref<!tpu.dma_semaphore, #tpu.memory_space<semaphore_mem>>)
    %dma_wait3A_102 = arith.constant 0 : i32
    %dma_wait3A_103 = tpu.memref_slice %arg26[%add3A_97, %dma_wait3A_102] : memref<10240x128xf32, #tpu.memory_space<vmem_shared>> -> memref<64x128xf32, #tpu.memory_space<vmem_shared>>
    %dma_wait3A_104 = arith.constant 0 : i32
    %dma_wait3A_105 = tpu.memref_slice %arg26[%add3A_97, %dma_wait3A_104] : memref<10240x128xf32, #tpu.memory_space<vmem_shared>> -> memref<64x128xf32, #tpu.memory_space<vmem_shared>>
    tpu.wait_dma2 semaphore(%arg20 : memref<!tpu.dma_semaphore, #tpu.memory_space<semaphore_mem>>) src(%dma_wait3A_105 : memref<64x128xf32, #tpu.memory_space<vmem_shared>>) dst(%arg13 : memref<64x128xf32, #tpu.memory_space<vmem>>)
    %dma_start3A_106 = arith.constant 0 : i32
    %dma_start3A_107 = tpu.memref_slice %arg5[%arg0, %add3A_97, %dma_start3A_106] : memref<2x10240x128xf32, #tpu.memory_space<hbm>> -> memref<1x64x128xf32, #tpu.memory_space<hbm>>
    %dma_start3A_108 = tpu.memref_squeeze %dma_start3A_107 : memref<1x64x128xf32, #tpu.memory_space<hbm>> -> memref<64x128xf32, #tpu.memory_space<hbm>>
    %dma_start3A_109 = arith.constant 0 : i32
    %dma_start3A_110 = tpu.memref_slice %arg5[%arg0, %add3A_97, %dma_start3A_109] : memref<2x10240x128xf32, #tpu.memory_space<hbm>> -> memref<1x64x128xf32, #tpu.memory_space<hbm>>
    %dma_start3A_111 = tpu.memref_squeeze %dma_start3A_110 : memref<1x64x128xf32, #tpu.memory_space<hbm>> -> memref<64x128xf32, #tpu.memory_space<hbm>>
    tpu.enqueue_dma source(%arg13 : memref<64x128xf32, #tpu.memory_space<vmem>>) target(%dma_start3A_111 : memref<64x128xf32, #tpu.memory_space<hbm>>) target_semaphore(%arg25 : memref<!tpu.dma_semaphore, #tpu.memory_space<semaphore_mem>>)
    %add3A_112 = arith.constant 128 : i32
    %add3A_113 = arith.addi %mul3A_4, %add3A_112 : i32
    %dma_wait3A_114 = arith.constant 0 : i32
    %dma_wait3A_115 = tpu.memref_slice %arg5[%arg0, %add3A_113, %dma_wait3A_114] : memref<2x10240x128xf32, #tpu.memory_space<hbm>> -> memref<1x64x128xf32, #tpu.memory_space<hbm>>
    %dma_wait3A_116 = tpu.memref_squeeze %dma_wait3A_115 : memref<1x64x128xf32, #tpu.memory_space<hbm>> -> memref<64x128xf32, #tpu.memory_space<hbm>>
    %dma_wait3A_117 = arith.constant 0 : i32
    %dma_wait3A_118 = tpu.memref_slice %arg5[%arg0, %add3A_113, %dma_wait3A_117] : memref<2x10240x128xf32, #tpu.memory_space<hbm>> -> memref<1x64x128xf32, #tpu.memory_space<hbm>>
    %dma_wait3A_119 = tpu.memref_squeeze %dma_wait3A_118 : memref<1x64x128xf32, #tpu.memory_space<hbm>> -> memref<64x128xf32, #tpu.memory_space<hbm>>
    tpu.wait_dma2 semaphore(%arg24 : memref<!tpu.dma_semaphore, #tpu.memory_space<semaphore_mem>>) src(%arg12 : memref<64x128xf32, #tpu.memory_space<vmem>>) dst(%dma_wait3A_119 : memref<64x128xf32, #tpu.memory_space<hbm>>)
    %add3A_120 = arith.constant 256 : i32
    %add3A_121 = arith.addi %mul3A_4, %add3A_120 : i32
    %dma_start3A_122 = arith.constant 0 : i32
    %dma_start3A_123 = tpu.memref_slice %arg26[%add3A_121, %dma_start3A_122] : memref<10240x128xf32, #tpu.memory_space<vmem_shared>> -> memref<64x128xf32, #tpu.memory_space<vmem_shared>>
    %dma_start3A_124 = arith.constant 0 : i32
    %dma_start3A_125 = tpu.memref_slice %arg26[%add3A_121, %dma_start3A_124] : memref<10240x128xf32, #tpu.memory_space<vmem_shared>> -> memref<64x128xf32, #tpu.memory_space<vmem_shared>>
    tpu.enqueue_dma source(%dma_start3A_125 : memref<64x128xf32, #tpu.memory_space<vmem_shared>>) target(%arg12 : memref<64x128xf32, #tpu.memory_space<vmem>>) target_semaphore(%arg19 : memref<!tpu.dma_semaphore, #tpu.memory_space<semaphore_mem>>)
    %dma_wait3A_126 = arith.constant 0 : i32
    %dma_wait3A_127 = tpu.memref_slice %arg26[%add3A_121, %dma_wait3A_126] : memref<10240x128xf32, #tpu.memory_space<vmem_shared>> -> memref<64x128xf32, #tpu.memory_space<vmem_shared>>
    %dma_wait3A_128 = arith.constant 0 : i32
    %dma_wait3A_129 = tpu.memref_slice %arg26[%add3A_121, %dma_wait3A_128] : memref<10240x128xf32, #tpu.memory_space<vmem_shared>> -> memref<64x128xf32, #tpu.memory_space<vmem_shared>>
    tpu.wait_dma2 semaphore(%arg19 : memref<!tpu.dma_semaphore, #tpu.memory_space<semaphore_mem>>) src(%dma_wait3A_129 : memref<64x128xf32, #tpu.memory_space<vmem_shared>>) dst(%arg12 : memref<64x128xf32, #tpu.memory_space<vmem>>)
    %dma_start3A_130 = arith.constant 0 : i32
    %dma_start3A_131 = tpu.memref_slice %arg5[%arg0, %add3A_121, %dma_start3A_130] : memref<2x10240x128xf32, #tpu.memory_space<hbm>> -> memref<1x64x128xf32, #tpu.memory_space<hbm>>
    %dma_start3A_132 = tpu.memref_squeeze %dma_start3A_131 : memref<1x64x128xf32, #tpu.memory_space<hbm>> -> memref<64x128xf32, #tpu.memory_space<hbm>>
    %dma_start3A_133 = arith.constant 0 : i32
    %dma_start3A_134 = tpu.memref_slice %arg5[%arg0, %add3A_121, %dma_start3A_133] : memref<2x10240x128xf32, #tpu.memory_space<hbm>> -> memref<1x64x128xf32, #tpu.memory_space<hbm>>
    %dma_start3A_135 = tpu.memref_squeeze %dma_start3A_134 : memref<1x64x128xf32, #tpu.memory_space<hbm>> -> memref<64x128xf32, #tpu.memory_space<hbm>>
    tpu.enqueue_dma source(%arg12 : memref<64x128xf32, #tpu.memory_space<vmem>>) target(%dma_start3A_135 : memref<64x128xf32, #tpu.memory_space<hbm>>) target_semaphore(%arg24 : memref<!tpu.dma_semaphore, #tpu.memory_space<semaphore_mem>>)
    %add3A_136 = arith.constant 192 : i32
    %add3A_137 = arith.addi %mul3A_4, %add3A_136 : i32
    %dma_wait3A_138 = arith.constant 0 : i32
    %dma_wait3A_139 = tpu.memref_slice %arg5[%arg0, %add3A_137, %dma_wait3A_138] : memref<2x10240x128xf32, #tpu.memory_space<hbm>> -> memref<1x64x128xf32, #tpu.memory_space<hbm>>
    %dma_wait3A_140 = tpu.memref_squeeze %dma_wait3A_139 : memref<1x64x128xf32, #tpu.memory_space<hbm>> -> memref<64x128xf32, #tpu.memory_space<hbm>>
    %dma_wait3A_141 = arith.constant 0 : i32
    %dma_wait3A_142 = tpu.memref_slice %arg5[%arg0, %add3A_137, %dma_wait3A_141] : memref<2x10240x128xf32, #tpu.memory_space<hbm>> -> memref<1x64x128xf32, #tpu.memory_space<hbm>>
    %dma_wait3A_143 = tpu.memref_squeeze %dma_wait3A_142 : memref<1x64x128xf32, #tpu.memory_space<hbm>> -> memref<64x128xf32, #tpu.memory_space<hbm>>
    tpu.wait_dma2 semaphore(%arg25 : memref<!tpu.dma_semaphore, #tpu.memory_space<semaphore_mem>>) src(%arg13 : memref<64x128xf32, #tpu.memory_space<vmem>>) dst(%dma_wait3A_143 : memref<64x128xf32, #tpu.memory_space<hbm>>)
    %add3A_144 = arith.constant 320 : i32
    %add3A_145 = arith.addi %mul3A_4, %add3A_144 : i32
    %dma_start3A_146 = arith.constant 0 : i32
    %dma_start3A_147 = tpu.memref_slice %arg26[%add3A_145, %dma_start3A_146] : memref<10240x128xf32, #tpu.memory_space<vmem_shared>> -> memref<64x128xf32, #tpu.memory_space<vmem_shared>>
    %dma_start3A_148 = arith.constant 0 : i32
    %dma_start3A_149 = tpu.memref_slice %arg26[%add3A_145, %dma_start3A_148] : memref<10240x128xf32, #tpu.memory_space<vmem_shared>> -> memref<64x128xf32, #tpu.memory_space<vmem_shared>>
    tpu.enqueue_dma source(%dma_start3A_149 : memref<64x128xf32, #tpu.memory_space<vmem_shared>>) target(%arg13 : memref<64x128xf32, #tpu.memory_space<vmem>>) target_semaphore(%arg20 : memref<!tpu.dma_semaphore, #tpu.memory_space<semaphore_mem>>)
    %dma_wait3A_150 = arith.constant 0 : i32
    %dma_wait3A_151 = tpu.memref_slice %arg26[%add3A_145, %dma_wait3A_150] : memref<10240x128xf32, #tpu.memory_space<vmem_shared>> -> memref<64x128xf32, #tpu.memory_space<vmem_shared>>
    %dma_wait3A_152 = arith.constant 0 : i32
    %dma_wait3A_153 = tpu.memref_slice %arg26[%add3A_145, %dma_wait3A_152] : memref<10240x128xf32, #tpu.memory_space<vmem_shared>> -> memref<64x128xf32, #tpu.memory_space<vmem_shared>>
    tpu.wait_dma2 semaphore(%arg20 : memref<!tpu.dma_semaphore, #tpu.memory_space<semaphore_mem>>) src(%dma_wait3A_153 : memref<64x128xf32, #tpu.memory_space<vmem_shared>>) dst(%arg13 : memref<64x128xf32, #tpu.memory_space<vmem>>)
    %dma_start3A_154 = arith.constant 0 : i32
    %dma_start3A_155 = tpu.memref_slice %arg5[%arg0, %add3A_145, %dma_start3A_154] : memref<2x10240x128xf32, #tpu.memory_space<hbm>> -> memref<1x64x128xf32, #tpu.memory_space<hbm>>
    %dma_start3A_156 = tpu.memref_squeeze %dma_start3A_155 : memref<1x64x128xf32, #tpu.memory_space<hbm>> -> memref<64x128xf32, #tpu.memory_space<hbm>>
    %dma_start3A_157 = arith.constant 0 : i32
    %dma_start3A_158 = tpu.memref_slice %arg5[%arg0, %add3A_145, %dma_start3A_157] : memref<2x10240x128xf32, #tpu.memory_space<hbm>> -> memref<1x64x128xf32, #tpu.memory_space<hbm>>
    %dma_start3A_159 = tpu.memref_squeeze %dma_start3A_158 : memref<1x64x128xf32, #tpu.memory_space<hbm>> -> memref<64x128xf32, #tpu.memory_space<hbm>>
    tpu.enqueue_dma source(%arg13 : memref<64x128xf32, #tpu.memory_space<vmem>>) target(%dma_start3A_159 : memref<64x128xf32, #tpu.memory_space<hbm>>) target_semaphore(%arg25 : memref<!tpu.dma_semaphore, #tpu.memory_space<semaphore_mem>>)
    %add3A_160 = arith.constant 256 : i32
    %add3A_161 = arith.addi %mul3A_4, %add3A_160 : i32
    %dma_wait3A_162 = arith.constant 0 : i32
    %dma_wait3A_163 = tpu.memref_slice %arg5[%arg0, %add3A_161, %dma_wait3A_162] : memref<2x10240x128xf32, #tpu.memory_space<hbm>> -> memref<1x64x128xf32, #tpu.memory_space<hbm>>
    %dma_wait3A_164 = tpu.memref_squeeze %dma_wait3A_163 : memref<1x64x128xf32, #tpu.memory_space<hbm>> -> memref<64x128xf32, #tpu.memory_space<hbm>>
    %dma_wait3A_165 = arith.constant 0 : i32
    %dma_wait3A_166 = tpu.memref_slice %arg5[%arg0, %add3A_161, %dma_wait3A_165] : memref<2x10240x128xf32, #tpu.memory_space<hbm>> -> memref<1x64x128xf32, #tpu.memory_space<hbm>>
    %dma_wait3A_167 = tpu.memref_squeeze %dma_wait3A_166 : memref<1x64x128xf32, #tpu.memory_space<hbm>> -> memref<64x128xf32, #tpu.memory_space<hbm>>
    tpu.wait_dma2 semaphore(%arg24 : memref<!tpu.dma_semaphore, #tpu.memory_space<semaphore_mem>>) src(%arg12 : memref<64x128xf32, #tpu.memory_space<vmem>>) dst(%dma_wait3A_167 : memref<64x128xf32, #tpu.memory_space<hbm>>)
    %add3A_168 = arith.constant 384 : i32
    %add3A_169 = arith.addi %mul3A_4, %add3A_168 : i32
    %dma_start3A_170 = arith.constant 0 : i32
    %dma_start3A_171 = tpu.memref_slice %arg26[%add3A_169, %dma_start3A_170] : memref<10240x128xf32, #tpu.memory_space<vmem_shared>> -> memref<64x128xf32, #tpu.memory_space<vmem_shared>>
    %dma_start3A_172 = arith.constant 0 : i32
    %dma_start3A_173 = tpu.memref_slice %arg26[%add3A_169, %dma_start3A_172] : memref<10240x128xf32, #tpu.memory_space<vmem_shared>> -> memref<64x128xf32, #tpu.memory_space<vmem_shared>>
    tpu.enqueue_dma source(%dma_start3A_173 : memref<64x128xf32, #tpu.memory_space<vmem_shared>>) target(%arg12 : memref<64x128xf32, #tpu.memory_space<vmem>>) target_semaphore(%arg19 : memref<!tpu.dma_semaphore, #tpu.memory_space<semaphore_mem>>)
    %dma_wait3A_174 = arith.constant 0 : i32
    %dma_wait3A_175 = tpu.memref_slice %arg26[%add3A_169, %dma_wait3A_174] : memref<10240x128xf32, #tpu.memory_space<vmem_shared>> -> memref<64x128xf32, #tpu.memory_space<vmem_shared>>
    %dma_wait3A_176 = arith.constant 0 : i32
    %dma_wait3A_177 = tpu.memref_slice %arg26[%add3A_169, %dma_wait3A_176] : memref<10240x128xf32, #tpu.memory_space<vmem_shared>> -> memref<64x128xf32, #tpu.memory_space<vmem_shared>>
    tpu.wait_dma2 semaphore(%arg19 : memref<!tpu.dma_semaphore, #tpu.memory_space<semaphore_mem>>) src(%dma_wait3A_177 : memref<64x128xf32, #tpu.memory_space<vmem_shared>>) dst(%arg12 : memref<64x128xf32, #tpu.memory_space<vmem>>)
    %dma_start3A_178 = arith.constant 0 : i32
    %dma_start3A_179 = tpu.memref_slice %arg5[%arg0, %add3A_169, %dma_start3A_178] : memref<2x10240x128xf32, #tpu.memory_space<hbm>> -> memref<1x64x128xf32, #tpu.memory_space<hbm>>
    %dma_start3A_180 = tpu.memref_squeeze %dma_start3A_179 : memref<1x64x128xf32, #tpu.memory_space<hbm>> -> memref<64x128xf32, #tpu.memory_space<hbm>>
    %dma_start3A_181 = arith.constant 0 : i32
    %dma_start3A_182 = tpu.memref_slice %arg5[%arg0, %add3A_169, %dma_start3A_181] : memref<2x10240x128xf32, #tpu.memory_space<hbm>> -> memref<1x64x128xf32, #tpu.memory_space<hbm>>
    %dma_start3A_183 = tpu.memref_squeeze %dma_start3A_182 : memref<1x64x128xf32, #tpu.memory_space<hbm>> -> memref<64x128xf32, #tpu.memory_space<hbm>>
    tpu.enqueue_dma source(%arg12 : memref<64x128xf32, #tpu.memory_space<vmem>>) target(%dma_start3A_183 : memref<64x128xf32, #tpu.memory_space<hbm>>) target_semaphore(%arg24 : memref<!tpu.dma_semaphore, #tpu.memory_space<semaphore_mem>>)
    %add3A_184 = arith.constant 320 : i32
    %add3A_185 = arith.addi %mul3A_4, %add3A_184 : i32
    %dma_wait3A_186 = arith.constant 0 : i32
    %dma_wait3A_187 = tpu.memref_slice %arg5[%arg0, %add3A_185, %dma_wait3A_186] : memref<2x10240x128xf32, #tpu.memory_space<hbm>> -> memref<1x64x128xf32, #tpu.memory_space<hbm>>
    %dma_wait3A_188 = tpu.memref_squeeze %dma_wait3A_187 : memref<1x64x128xf32, #tpu.memory_space<hbm>> -> memref<64x128xf32, #tpu.memory_space<hbm>>
    %dma_wait3A_189 = arith.constant 0 : i32
    %dma_wait3A_190 = tpu.memref_slice %arg5[%arg0, %add3A_185, %dma_wait3A_189] : memref<2x10240x128xf32, #tpu.memory_space<hbm>> -> memref<1x64x128xf32, #tpu.memory_space<hbm>>
    %dma_wait3A_191 = tpu.memref_squeeze %dma_wait3A_190 : memref<1x64x128xf32, #tpu.memory_space<hbm>> -> memref<64x128xf32, #tpu.memory_space<hbm>>
    tpu.wait_dma2 semaphore(%arg25 : memref<!tpu.dma_semaphore, #tpu.memory_space<semaphore_mem>>) src(%arg13 : memref<64x128xf32, #tpu.memory_space<vmem>>) dst(%dma_wait3A_191 : memref<64x128xf32, #tpu.memory_space<hbm>>)
    %add3A_192 = arith.constant 448 : i32
    %add3A_193 = arith.addi %mul3A_4, %add3A_192 : i32
    %dma_start3A_194 = arith.constant 0 : i32
    %dma_start3A_195 = tpu.memref_slice %arg26[%add3A_193, %dma_start3A_194] : memref<10240x128xf32, #tpu.memory_space<vmem_shared>> -> memref<64x128xf32, #tpu.memory_space<vmem_shared>>
    %dma_start3A_196 = arith.constant 0 : i32
    %dma_start3A_197 = tpu.memref_slice %arg26[%add3A_193, %dma_start3A_196] : memref<10240x128xf32, #tpu.memory_space<vmem_shared>> -> memref<64x128xf32, #tpu.memory_space<vmem_shared>>
    tpu.enqueue_dma source(%dma_start3A_197 : memref<64x128xf32, #tpu.memory_space<vmem_shared>>) target(%arg13 : memref<64x128xf32, #tpu.memory_space<vmem>>) target_semaphore(%arg20 : memref<!tpu.dma_semaphore, #tpu.memory_space<semaphore_mem>>)
    %dma_wait3A_198 = arith.constant 0 : i32
    %dma_wait3A_199 = tpu.memref_slice %arg26[%add3A_193, %dma_wait3A_198] : memref<10240x128xf32, #tpu.memory_space<vmem_shared>> -> memref<64x128xf32, #tpu.memory_space<vmem_shared>>
    %dma_wait3A_200 = arith.constant 0 : i32
    %dma_wait3A_201 = tpu.memref_slice %arg26[%add3A_193, %dma_wait3A_200] : memref<10240x128xf32, #tpu.memory_space<vmem_shared>> -> memref<64x128xf32, #tpu.memory_space<vmem_shared>>
    tpu.wait_dma2 semaphore(%arg20 : memref<!tpu.dma_semaphore, #tpu.memory_space<semaphore_mem>>) src(%dma_wait3A_201 : memref<64x128xf32, #tpu.memory_space<vmem_shared>>) dst(%arg13 : memref<64x128xf32, #tpu.memory_space<vmem>>)
    %dma_start3A_202 = arith.constant 0 : i32
    %dma_start3A_203 = tpu.memref_slice %arg5[%arg0, %add3A_193, %dma_start3A_202] : memref<2x10240x128xf32, #tpu.memory_space<hbm>> -> memref<1x64x128xf32, #tpu.memory_space<hbm>>
    %dma_start3A_204 = tpu.memref_squeeze %dma_start3A_203 : memref<1x64x128xf32, #tpu.memory_space<hbm>> -> memref<64x128xf32, #tpu.memory_space<hbm>>
    %dma_start3A_205 = arith.constant 0 : i32
    %dma_start3A_206 = tpu.memref_slice %arg5[%arg0, %add3A_193, %dma_start3A_205] : memref<2x10240x128xf32, #tpu.memory_space<hbm>> -> memref<1x64x128xf32, #tpu.memory_space<hbm>>
    %dma_start3A_207 = tpu.memref_squeeze %dma_start3A_206 : memref<1x64x128xf32, #tpu.memory_space<hbm>> -> memref<64x128xf32, #tpu.memory_space<hbm>>
    tpu.enqueue_dma source(%arg13 : memref<64x128xf32, #tpu.memory_space<vmem>>) target(%dma_start3A_207 : memref<64x128xf32, #tpu.memory_space<hbm>>) target_semaphore(%arg25 : memref<!tpu.dma_semaphore, #tpu.memory_space<semaphore_mem>>)
    %add3A_208 = arith.constant 384 : i32
    %add3A_209 = arith.addi %mul3A_4, %add3A_208 : i32
    %dma_wait3A_210 = arith.constant 0 : i32
    %dma_wait3A_211 = tpu.memref_slice %arg5[%arg0, %add3A_209, %dma_wait3A_210] : memref<2x10240x128xf32, #tpu.memory_space<hbm>> -> memref<1x64x128xf32, #tpu.memory_space<hbm>>
    %dma_wait3A_212 = tpu.memref_squeeze %dma_wait3A_211 : memref<1x64x128xf32, #tpu.memory_space<hbm>> -> memref<64x128xf32, #tpu.memory_space<hbm>>
    %dma_wait3A_213 = arith.constant 0 : i32
    %dma_wait3A_214 = tpu.memref_slice %arg5[%arg0, %add3A_209, %dma_wait3A_213] : memref<2x10240x128xf32, #tpu.memory_space<hbm>> -> memref<1x64x128xf32, #tpu.memory_space<hbm>>
    %dma_wait3A_215 = tpu.memref_squeeze %dma_wait3A_214 : memref<1x64x128xf32, #tpu.memory_space<hbm>> -> memref<64x128xf32, #tpu.memory_space<hbm>>
    tpu.wait_dma2 semaphore(%arg24 : memref<!tpu.dma_semaphore, #tpu.memory_space<semaphore_mem>>) src(%arg12 : memref<64x128xf32, #tpu.memory_space<vmem>>) dst(%dma_wait3A_215 : memref<64x128xf32, #tpu.memory_space<hbm>>)
    %add3A_216 = arith.constant 512 : i32
    %add3A_217 = arith.addi %mul3A_4, %add3A_216 : i32
    %dma_start3A_218 = arith.constant 0 : i32
    %dma_start3A_219 = tpu.memref_slice %arg26[%add3A_217, %dma_start3A_218] : memref<10240x128xf32, #tpu.memory_space<vmem_shared>> -> memref<64x128xf32, #tpu.memory_space<vmem_shared>>
    %dma_start3A_220 = arith.constant 0 : i32
    %dma_start3A_221 = tpu.memref_slice %arg26[%add3A_217, %dma_start3A_220] : memref<10240x128xf32, #tpu.memory_space<vmem_shared>> -> memref<64x128xf32, #tpu.memory_space<vmem_shared>>
    tpu.enqueue_dma source(%dma_start3A_221 : memref<64x128xf32, #tpu.memory_space<vmem_shared>>) target(%arg12 : memref<64x128xf32, #tpu.memory_space<vmem>>) target_semaphore(%arg19 : memref<!tpu.dma_semaphore, #tpu.memory_space<semaphore_mem>>)
    %dma_wait3A_222 = arith.constant 0 : i32
    %dma_wait3A_223 = tpu.memref_slice %arg26[%add3A_217, %dma_wait3A_222] : memref<10240x128xf32, #tpu.memory_space<vmem_shared>> -> memref<64x128xf32, #tpu.memory_space<vmem_shared>>
    %dma_wait3A_224 = arith.constant 0 : i32
    %dma_wait3A_225 = tpu.memref_slice %arg26[%add3A_217, %dma_wait3A_224] : memref<10240x128xf32, #tpu.memory_space<vmem_shared>> -> memref<64x128xf32, #tpu.memory_space<vmem_shared>>
    tpu.wait_dma2 semaphore(%arg19 : memref<!tpu.dma_semaphore, #tpu.memory_space<semaphore_mem>>) src(%dma_wait3A_225 : memref<64x128xf32, #tpu.memory_space<vmem_shared>>) dst(%arg12 : memref<64x128xf32, #tpu.memory_space<vmem>>)
    %dma_start3A_226 = arith.constant 0 : i32
    %dma_start3A_227 = tpu.memref_slice %arg5[%arg0, %add3A_217, %dma_start3A_226] : memref<2x10240x128xf32, #tpu.memory_space<hbm>> -> memref<1x64x128xf32, #tpu.memory_space<hbm>>
    %dma_start3A_228 = tpu.memref_squeeze %dma_start3A_227 : memref<1x64x128xf32, #tpu.memory_space<hbm>> -> memref<64x128xf32, #tpu.memory_space<hbm>>
    %dma_start3A_229 = arith.constant 0 : i32
    %dma_start3A_230 = tpu.memref_slice %arg5[%arg0, %add3A_217, %dma_start3A_229] : memref<2x10240x128xf32, #tpu.memory_space<hbm>> -> memref<1x64x128xf32, #tpu.memory_space<hbm>>
    %dma_start3A_231 = tpu.memref_squeeze %dma_start3A_230 : memref<1x64x128xf32, #tpu.memory_space<hbm>> -> memref<64x128xf32, #tpu.memory_space<hbm>>
    tpu.enqueue_dma source(%arg12 : memref<64x128xf32, #tpu.memory_space<vmem>>) target(%dma_start3A_231 : memref<64x128xf32, #tpu.memory_space<hbm>>) target_semaphore(%arg24 : memref<!tpu.dma_semaphore, #tpu.memory_space<semaphore_mem>>)
    %add3A_232 = arith.constant 448 : i32
    %add3A_233 = arith.addi %mul3A_4, %add3A_232 : i32
    %dma_wait3A_234 = arith.constant 0 : i32
    %dma_wait3A_235 = tpu.memref_slice %arg5[%arg0, %add3A_233, %dma_wait3A_234] : memref<2x10240x128xf32, #tpu.memory_space<hbm>> -> memref<1x64x128xf32, #tpu.memory_space<hbm>>
    %dma_wait3A_236 = tpu.memref_squeeze %dma_wait3A_235 : memref<1x64x128xf32, #tpu.memory_space<hbm>> -> memref<64x128xf32, #tpu.memory_space<hbm>>
    %dma_wait3A_237 = arith.constant 0 : i32
    %dma_wait3A_238 = tpu.memref_slice %arg5[%arg0, %add3A_233, %dma_wait3A_237] : memref<2x10240x128xf32, #tpu.memory_space<hbm>> -> memref<1x64x128xf32, #tpu.memory_space<hbm>>
    %dma_wait3A_239 = tpu.memref_squeeze %dma_wait3A_238 : memref<1x64x128xf32, #tpu.memory_space<hbm>> -> memref<64x128xf32, #tpu.memory_space<hbm>>
    tpu.wait_dma2 semaphore(%arg25 : memref<!tpu.dma_semaphore, #tpu.memory_space<semaphore_mem>>) src(%arg13 : memref<64x128xf32, #tpu.memory_space<vmem>>) dst(%dma_wait3A_239 : memref<64x128xf32, #tpu.memory_space<hbm>>)
    %add3A_240 = arith.constant 576 : i32
    %add3A_241 = arith.addi %mul3A_4, %add3A_240 : i32
    %dma_start3A_242 = arith.constant 0 : i32
    %dma_start3A_243 = tpu.memref_slice %arg26[%add3A_241, %dma_start3A_242] : memref<10240x128xf32, #tpu.memory_space<vmem_shared>> -> memref<64x128xf32, #tpu.memory_space<vmem_shared>>
    %dma_start3A_244 = arith.constant 0 : i32
    %dma_start3A_245 = tpu.memref_slice %arg26[%add3A_241, %dma_start3A_244] : memref<10240x128xf32, #tpu.memory_space<vmem_shared>> -> memref<64x128xf32, #tpu.memory_space<vmem_shared>>
    tpu.enqueue_dma source(%dma_start3A_245 : memref<64x128xf32, #tpu.memory_space<vmem_shared>>) target(%arg13 : memref<64x128xf32, #tpu.memory_space<vmem>>) target_semaphore(%arg20 : memref<!tpu.dma_semaphore, #tpu.memory_space<semaphore_mem>>)
    %dma_wait3A_246 = arith.constant 0 : i32
    %dma_wait3A_247 = tpu.memref_slice %arg26[%add3A_241, %dma_wait3A_246] : memref<10240x128xf32, #tpu.memory_space<vmem_shared>> -> memref<64x128xf32, #tpu.memory_space<vmem_shared>>
    %dma_wait3A_248 = arith.constant 0 : i32
    %dma_wait3A_249 = tpu.memref_slice %arg26[%add3A_241, %dma_wait3A_248] : memref<10240x128xf32, #tpu.memory_space<vmem_shared>> -> memref<64x128xf32, #tpu.memory_space<vmem_shared>>
    tpu.wait_dma2 semaphore(%arg20 : memref<!tpu.dma_semaphore, #tpu.memory_space<semaphore_mem>>) src(%dma_wait3A_249 : memref<64x128xf32, #tpu.memory_space<vmem_shared>>) dst(%arg13 : memref<64x128xf32, #tpu.memory_space<vmem>>)
    %dma_start3A_250 = arith.constant 0 : i32
    %dma_start3A_251 = tpu.memref_slice %arg5[%arg0, %add3A_241, %dma_start3A_250] : memref<2x10240x128xf32, #tpu.memory_space<hbm>> -> memref<1x64x128xf32, #tpu.memory_space<hbm>>
    %dma_start3A_252 = tpu.memref_squeeze %dma_start3A_251 : memref<1x64x128xf32, #tpu.memory_space<hbm>> -> memref<64x128xf32, #tpu.memory_space<hbm>>
    %dma_start3A_253 = arith.constant 0 : i32
    %dma_start3A_254 = tpu.memref_slice %arg5[%arg0, %add3A_241, %dma_start3A_253] : memref<2x10240x128xf32, #tpu.memory_space<hbm>> -> memref<1x64x128xf32, #tpu.memory_space<hbm>>
    %dma_start3A_255 = tpu.memref_squeeze %dma_start3A_254 : memref<1x64x128xf32, #tpu.memory_space<hbm>> -> memref<64x128xf32, #tpu.memory_space<hbm>>
    tpu.enqueue_dma source(%arg13 : memref<64x128xf32, #tpu.memory_space<vmem>>) target(%dma_start3A_255 : memref<64x128xf32, #tpu.memory_space<hbm>>) target_semaphore(%arg25 : memref<!tpu.dma_semaphore, #tpu.memory_space<semaphore_mem>>)
    %add3A_256 = arith.constant 512 : i32
    %add3A_257 = arith.addi %mul3A_4, %add3A_256 : i32
    %dma_wait3A_258 = arith.constant 0 : i32
    %dma_wait3A_259 = tpu.memref_slice %arg5[%arg0, %add3A_257, %dma_wait3A_258] : memref<2x10240x128xf32, #tpu.memory_space<hbm>> -> memref<1x64x128xf32, #tpu.memory_space<hbm>>
    %dma_wait3A_260 = tpu.memref_squeeze %dma_wait3A_259 : memref<1x64x128xf32, #tpu.memory_space<hbm>> -> memref<64x128xf32, #tpu.memory_space<hbm>>
    %dma_wait3A_261 = arith.constant 0 : i32
    %dma_wait3A_262 = tpu.memref_slice %arg5[%arg0, %add3A_257, %dma_wait3A_261] : memref<2x10240x128xf32, #tpu.memory_space<hbm>> -> memref<1x64x128xf32, #tpu.memory_space<hbm>>
    %dma_wait3A_263 = tpu.memref_squeeze %dma_wait3A_262 : memref<1x64x128xf32, #tpu.memory_space<hbm>> -> memref<64x128xf32, #tpu.memory_space<hbm>>
    tpu.wait_dma2 semaphore(%arg24 : memref<!tpu.dma_semaphore, #tpu.memory_space<semaphore_mem>>) src(%arg12 : memref<64x128xf32, #tpu.memory_space<vmem>>) dst(%dma_wait3A_263 : memref<64x128xf32, #tpu.memory_space<hbm>>)
    %add3A_264 = arith.constant 576 : i32
    %add3A_265 = arith.addi %mul3A_4, %add3A_264 : i32
    %dma_wait3A_266 = arith.constant 0 : i32
    %dma_wait3A_267 = tpu.memref_slice %arg5[%arg0, %add3A_265, %dma_wait3A_266] : memref<2x10240x128xf32, #tpu.memory_space<hbm>> -> memref<1x64x128xf32, #tpu.memory_space<hbm>>
    %dma_wait3A_268 = tpu.memref_squeeze %dma_wait3A_267 : memref<1x64x128xf32, #tpu.memory_space<hbm>> -> memref<64x128xf32, #tpu.memory_space<hbm>>
    %dma_wait3A_269 = arith.constant 0 : i32
    %dma_wait3A_270 = tpu.memref_slice %arg5[%arg0, %add3A_265, %dma_wait3A_269] : memref<2x10240x128xf32, #tpu.memory_space<hbm>> -> memref<1x64x128xf32, #tpu.memory_space<hbm>>
    %dma_wait3A_271 = tpu.memref_squeeze %dma_wait3A_270 : memref<1x64x128xf32, #tpu.memory_space<hbm>> -> memref<64x128xf32, #tpu.memory_space<hbm>>
    tpu.wait_dma2 semaphore(%arg25 : memref<!tpu.dma_semaphore, #tpu.memory_space<semaphore_mem>>) src(%arg13 : memref<64x128xf32, #tpu.memory_space<vmem>>) dst(%dma_wait3A_271 : memref<64x128xf32, #tpu.memory_space<hbm>>)
    return
  }
}

#map = affine_map<(d0, d1) -> (0, 0)>
#map1 = affine_map<(d0, d1) -> (0)>
#map2 = affine_map<(d0, d1) -> (0, 0, 0)>
module attributes {stable_mosaic.version = 14 : i64} {
  func.func @_acc_body(%arg0: i32, %arg1: i32, %arg2: memref<10000x128xf32, #tpu.memory_space<hbm>>, %arg3: memref<320000xi32, #tpu.memory_space<hbm>>, %arg4: memref<320000xi32, #tpu.memory_space<hbm>>, %arg5: memref<80x128xf32, #tpu.memory_space<hbm>>, %arg6: memref<2x10240x128xf32, #tpu.memory_space<hbm>>, %arg7: memref<80xi32, #tpu.memory_space<vmem>>, %arg8: memref<80xi32, #tpu.memory_space<vmem>>, %arg9: memref<80x128xf32, #tpu.memory_space<vmem>>, %arg10: memref<!tpu.dma_semaphore, #tpu.memory_space<semaphore_mem>>, %arg11: memref<10240x128xf32, #tpu.memory_space<vmem_shared>>) attributes {dimension_semantics = [#tpu.dimension_semantics<core_parallel>, #tpu.dimension_semantics<subcore_parallel>], iteration_bounds = array<i64: 2, 16>, scalar_prefetch = 0 : i64, scratch_operands = 5 : i64, tpu.core_type = #tpu.core_type<sc_vector_subcore>, window_params = [{transform_indices = #map}, {transform_indices = #map1}, {transform_indices = #map1}, {transform_indices = #map}, {transform_indices = #map2}]} {
    %mul3A = arith.constant 2 : i32
    %mul3A_0 = arith.muli %arg1, %mul3A : i32
    %add3A = arith.addi %mul3A_0, %arg0 : i32
    %mul3A_1 = arith.constant 10000 : i32
    %mul3A_2 = arith.muli %add3A, %mul3A_1 : i32
    %mul3A_3 = arith.constant 640 : i32
    %mul3A_4 = arith.muli %arg1, %mul3A_3 : i32
    "tpu.region"() ({
      %run_scoped3A = tpu.sem_alloc : memref<!tpu.dma_semaphore, #tpu.memory_space<semaphore_mem>>
      tpu.enqueue_dma source(%arg5 : memref<80x128xf32, #tpu.memory_space<hbm>>) target(%arg9 : memref<80x128xf32, #tpu.memory_space<vmem>>) target_semaphore(%run_scoped3A : memref<!tpu.dma_semaphore, #tpu.memory_space<semaphore_mem>>)
      tpu.wait_dma2 semaphore(%run_scoped3A : memref<!tpu.dma_semaphore, #tpu.memory_space<semaphore_mem>>) src(%arg5 : memref<80x128xf32, #tpu.memory_space<hbm>>) dst(%arg9 : memref<80x128xf32, #tpu.memory_space<vmem>>)
      tpu.yield
    }) : () -> ()
    %scan3A = arith.constant 0 : i32
    %scan3A_5 = arith.constant 0 : i32
    %scan3A_6 = arith.constant 8 : i32
    %scan3A_7 = arith.addi %scan3A_5, %scan3A_6 : i32
    %scan3A_8 = arith.constant 1 : i32
    scf.for %scan3A_23 = %scan3A_5 to %scan3A_7 step %scan3A_8  : i32 {
      %mul3A_24 = arith.constant 80 : i32
      %mul3A_25 = arith.muli %scan3A_23, %mul3A_24 : i32
      %add3A_26 = arith.addi %mul3A_4, %mul3A_25 : i32
      "tpu.region"() ({
        %run_scoped3A = tpu.sem_alloc : memref<!tpu.dma_semaphore, #tpu.memory_space<semaphore_mem>>
        %dma_start3A = arith.constant 0 : i32
        %dma_start3A_27 = tpu.memref_slice %arg11[%add3A_26, %dma_start3A] : memref<10240x128xf32, #tpu.memory_space<vmem_shared>> -> memref<80x128xf32, #tpu.memory_space<vmem_shared>>
        %dma_start3A_28 = arith.constant 0 : i32
        %dma_start3A_29 = tpu.memref_slice %arg11[%add3A_26, %dma_start3A_28] : memref<10240x128xf32, #tpu.memory_space<vmem_shared>> -> memref<80x128xf32, #tpu.memory_space<vmem_shared>>
        tpu.enqueue_dma source(%arg9 : memref<80x128xf32, #tpu.memory_space<vmem>>) target(%dma_start3A_29 : memref<80x128xf32, #tpu.memory_space<vmem_shared>>) target_semaphore(%run_scoped3A : memref<!tpu.dma_semaphore, #tpu.memory_space<semaphore_mem>>)
        %dma_wait3A = arith.constant 0 : i32
        %dma_wait3A_30 = tpu.memref_slice %arg11[%add3A_26, %dma_wait3A] : memref<10240x128xf32, #tpu.memory_space<vmem_shared>> -> memref<80x128xf32, #tpu.memory_space<vmem_shared>>
        %dma_wait3A_31 = arith.constant 0 : i32
        %dma_wait3A_32 = tpu.memref_slice %arg11[%add3A_26, %dma_wait3A_31] : memref<10240x128xf32, #tpu.memory_space<vmem_shared>> -> memref<80x128xf32, #tpu.memory_space<vmem_shared>>
        tpu.wait_dma2 semaphore(%run_scoped3A : memref<!tpu.dma_semaphore, #tpu.memory_space<semaphore_mem>>) src(%arg9 : memref<80x128xf32, #tpu.memory_space<vmem>>) dst(%dma_wait3A_32 : memref<80x128xf32, #tpu.memory_space<vmem_shared>>)
        tpu.yield
      }) : () -> ()
    }
    %scan3A_9 = arith.constant 8 : i32
    %barrier3A = arith.constant 0 : index
    tpu.barrier barrier_id(%barrier3A)
    %scan3A_10 = arith.constant 0 : i32
    %scan3A_11 = arith.constant 0 : i32
    %scan3A_12 = arith.constant 125 : i32
    %scan3A_13 = arith.addi %scan3A_11, %scan3A_12 : i32
    %scan3A_14 = arith.constant 1 : i32
    scf.for %scan3A_23 = %scan3A_11 to %scan3A_13 step %scan3A_14  : i32 {
      %mul3A_24 = arith.constant 80 : i32
      %mul3A_25 = arith.muli %scan3A_23, %mul3A_24 : i32
      %add3A_26 = arith.addi %mul3A_2, %mul3A_25 : i32
      "tpu.region"() ({
        %run_scoped3A = tpu.sem_alloc : memref<!tpu.dma_semaphore, #tpu.memory_space<semaphore_mem>>
        %dma_start3A_31 = tpu.memref_slice %arg3[%add3A_26] : memref<320000xi32, #tpu.memory_space<hbm>> -> memref<80xi32, #tpu.memory_space<hbm>>
        %dma_start3A_32 = tpu.memref_slice %arg3[%add3A_26] : memref<320000xi32, #tpu.memory_space<hbm>> -> memref<80xi32, #tpu.memory_space<hbm>>
        tpu.enqueue_dma source(%dma_start3A_32 : memref<80xi32, #tpu.memory_space<hbm>>) target(%arg7 : memref<80xi32, #tpu.memory_space<vmem>>) target_semaphore(%run_scoped3A : memref<!tpu.dma_semaphore, #tpu.memory_space<semaphore_mem>>)
        %dma_wait3A_33 = tpu.memref_slice %arg3[%add3A_26] : memref<320000xi32, #tpu.memory_space<hbm>> -> memref<80xi32, #tpu.memory_space<hbm>>
        %dma_wait3A_34 = tpu.memref_slice %arg3[%add3A_26] : memref<320000xi32, #tpu.memory_space<hbm>> -> memref<80xi32, #tpu.memory_space<hbm>>
        tpu.wait_dma2 semaphore(%run_scoped3A : memref<!tpu.dma_semaphore, #tpu.memory_space<semaphore_mem>>) src(%dma_wait3A_34 : memref<80xi32, #tpu.memory_space<hbm>>) dst(%arg7 : memref<80xi32, #tpu.memory_space<vmem>>)
        tpu.yield
      }) : () -> ()
      "tpu.region"() ({
        %run_scoped3A = tpu.sem_alloc : memref<!tpu.dma_semaphore, #tpu.memory_space<semaphore_mem>>
        %dma_start3A_31 = tpu.memref_slice %arg4[%add3A_26] : memref<320000xi32, #tpu.memory_space<hbm>> -> memref<80xi32, #tpu.memory_space<hbm>>
        %dma_start3A_32 = tpu.memref_slice %arg4[%add3A_26] : memref<320000xi32, #tpu.memory_space<hbm>> -> memref<80xi32, #tpu.memory_space<hbm>>
        tpu.enqueue_dma source(%dma_start3A_32 : memref<80xi32, #tpu.memory_space<hbm>>) target(%arg8 : memref<80xi32, #tpu.memory_space<vmem>>) target_semaphore(%run_scoped3A : memref<!tpu.dma_semaphore, #tpu.memory_space<semaphore_mem>>)
        %dma_wait3A_33 = tpu.memref_slice %arg4[%add3A_26] : memref<320000xi32, #tpu.memory_space<hbm>> -> memref<80xi32, #tpu.memory_space<hbm>>
        %dma_wait3A_34 = tpu.memref_slice %arg4[%add3A_26] : memref<320000xi32, #tpu.memory_space<hbm>> -> memref<80xi32, #tpu.memory_space<hbm>>
        tpu.wait_dma2 semaphore(%run_scoped3A : memref<!tpu.dma_semaphore, #tpu.memory_space<semaphore_mem>>) src(%dma_wait3A_34 : memref<80xi32, #tpu.memory_space<hbm>>) dst(%arg8 : memref<80xi32, #tpu.memory_space<vmem>>)
        tpu.yield
      }) : () -> ()
      %dma_start3A = arith.constant 0 : i32
      %dma_start3A_27 = arith.constant 0 : i32
      %dma_start3A_28 = tpu.memref_slice %arg2[%dma_start3A, %dma_start3A_27] : memref<10000x128xf32, #tpu.memory_space<hbm>> -> memref<10000x128xf32, #tpu.memory_space<hbm>>
      tpu.enqueue_indirect_dma source(%dma_start3A_28 : memref<10000x128xf32, #tpu.memory_space<hbm>>) target(%arg9 : memref<80x128xf32, #tpu.memory_space<vmem>>) offsets(%arg7 : memref<80xi32, #tpu.memory_space<vmem>>) semaphore(%arg10 : memref<!tpu.dma_semaphore, #tpu.memory_space<semaphore_mem>>)
      %dma_wait3A = arith.constant 0 : i32
      %dma_wait3A_29 = arith.constant 0 : i32
      %dma_wait3A_30 = tpu.memref_slice %arg2[%dma_wait3A, %dma_wait3A_29] : memref<10000x128xf32, #tpu.memory_space<hbm>> -> memref<10000x128xf32, #tpu.memory_space<hbm>>
      tpu.wait_indirect_dma semaphore(%arg10 : memref<!tpu.dma_semaphore, #tpu.memory_space<semaphore_mem>>) src(%dma_wait3A_30 : memref<10000x128xf32, #tpu.memory_space<hbm>>) dst(%arg9 : memref<80x128xf32, #tpu.memory_space<vmem>>)
      "tpu.region"() ({
        %run_scoped3A = tpu.sem_alloc : memref<!tpu.dma_semaphore, #tpu.memory_space<semaphore_mem>>
        %dma_start3A_31 = arith.constant 0 : i32
        %dma_start3A_32 = arith.constant 0 : i32
        %dma_start3A_33 = tpu.memref_slice %arg11[%dma_start3A_31, %dma_start3A_32] : memref<10240x128xf32, #tpu.memory_space<vmem_shared>> -> memref<10240x128xf32, #tpu.memory_space<vmem_shared>>
        tpu.enqueue_indirect_dma source(%arg9 : memref<80x128xf32, #tpu.memory_space<vmem>>) target(%dma_start3A_33 : memref<10240x128xf32, #tpu.memory_space<vmem_shared>>) offsets(%arg8 : memref<80xi32, #tpu.memory_space<vmem>>) semaphore(%run_scoped3A : memref<!tpu.dma_semaphore, #tpu.memory_space<semaphore_mem>>) {add = true}
        %dma_wait3A_34 = arith.constant 0 : i32
        %dma_wait3A_35 = arith.constant 0 : i32
        %dma_wait3A_36 = tpu.memref_slice %arg11[%dma_wait3A_34, %dma_wait3A_35] : memref<10240x128xf32, #tpu.memory_space<vmem_shared>> -> memref<10240x128xf32, #tpu.memory_space<vmem_shared>>
        tpu.wait_indirect_dma semaphore(%run_scoped3A : memref<!tpu.dma_semaphore, #tpu.memory_space<semaphore_mem>>) src(%arg9 : memref<80x128xf32, #tpu.memory_space<vmem>>) dst(%dma_wait3A_36 : memref<10240x128xf32, #tpu.memory_space<vmem_shared>>)
        tpu.yield
      }) : () -> ()
    }
    %scan3A_15 = arith.constant 125 : i32
    %barrier3A_16 = arith.constant 0 : index
    tpu.barrier barrier_id(%barrier3A_16)
    %scan3A_17 = arith.constant 0 : i32
    %scan3A_18 = arith.constant 0 : i32
    %scan3A_19 = arith.constant 8 : i32
    %scan3A_20 = arith.addi %scan3A_18, %scan3A_19 : i32
    %scan3A_21 = arith.constant 1 : i32
    scf.for %scan3A_23 = %scan3A_18 to %scan3A_20 step %scan3A_21  : i32 {
      %mul3A_24 = arith.constant 80 : i32
      %mul3A_25 = arith.muli %scan3A_23, %mul3A_24 : i32
      %add3A_26 = arith.addi %mul3A_4, %mul3A_25 : i32
      "tpu.region"() ({
        %run_scoped3A = tpu.sem_alloc : memref<!tpu.dma_semaphore, #tpu.memory_space<semaphore_mem>>
        %dma_start3A = arith.constant 0 : i32
        %dma_start3A_27 = tpu.memref_slice %arg11[%add3A_26, %dma_start3A] : memref<10240x128xf32, #tpu.memory_space<vmem_shared>> -> memref<80x128xf32, #tpu.memory_space<vmem_shared>>
        %dma_start3A_28 = arith.constant 0 : i32
        %dma_start3A_29 = tpu.memref_slice %arg11[%add3A_26, %dma_start3A_28] : memref<10240x128xf32, #tpu.memory_space<vmem_shared>> -> memref<80x128xf32, #tpu.memory_space<vmem_shared>>
        tpu.enqueue_dma source(%dma_start3A_29 : memref<80x128xf32, #tpu.memory_space<vmem_shared>>) target(%arg9 : memref<80x128xf32, #tpu.memory_space<vmem>>) target_semaphore(%run_scoped3A : memref<!tpu.dma_semaphore, #tpu.memory_space<semaphore_mem>>)
        %dma_wait3A = arith.constant 0 : i32
        %dma_wait3A_30 = tpu.memref_slice %arg11[%add3A_26, %dma_wait3A] : memref<10240x128xf32, #tpu.memory_space<vmem_shared>> -> memref<80x128xf32, #tpu.memory_space<vmem_shared>>
        %dma_wait3A_31 = arith.constant 0 : i32
        %dma_wait3A_32 = tpu.memref_slice %arg11[%add3A_26, %dma_wait3A_31] : memref<10240x128xf32, #tpu.memory_space<vmem_shared>> -> memref<80x128xf32, #tpu.memory_space<vmem_shared>>
        tpu.wait_dma2 semaphore(%run_scoped3A : memref<!tpu.dma_semaphore, #tpu.memory_space<semaphore_mem>>) src(%dma_wait3A_32 : memref<80x128xf32, #tpu.memory_space<vmem_shared>>) dst(%arg9 : memref<80x128xf32, #tpu.memory_space<vmem>>)
        tpu.yield
      }) : () -> ()
      "tpu.region"() ({
        %run_scoped3A = tpu.sem_alloc : memref<!tpu.dma_semaphore, #tpu.memory_space<semaphore_mem>>
        %dma_start3A = arith.constant 0 : i32
        %dma_start3A_27 = tpu.memref_slice %arg6[%arg0, %add3A_26, %dma_start3A] : memref<2x10240x128xf32, #tpu.memory_space<hbm>> -> memref<1x80x128xf32, #tpu.memory_space<hbm>>
        %dma_start3A_28 = tpu.memref_squeeze %dma_start3A_27 : memref<1x80x128xf32, #tpu.memory_space<hbm>> -> memref<80x128xf32, #tpu.memory_space<hbm>>
        %dma_start3A_29 = arith.constant 0 : i32
        %dma_start3A_30 = tpu.memref_slice %arg6[%arg0, %add3A_26, %dma_start3A_29] : memref<2x10240x128xf32, #tpu.memory_space<hbm>> -> memref<1x80x128xf32, #tpu.memory_space<hbm>>
        %dma_start3A_31 = tpu.memref_squeeze %dma_start3A_30 : memref<1x80x128xf32, #tpu.memory_space<hbm>> -> memref<80x128xf32, #tpu.memory_space<hbm>>
        tpu.enqueue_dma source(%arg9 : memref<80x128xf32, #tpu.memory_space<vmem>>) target(%dma_start3A_31 : memref<80x128xf32, #tpu.memory_space<hbm>>) target_semaphore(%run_scoped3A : memref<!tpu.dma_semaphore, #tpu.memory_space<semaphore_mem>>)
        %dma_wait3A = arith.constant 0 : i32
        %dma_wait3A_32 = tpu.memref_slice %arg6[%arg0, %add3A_26, %dma_wait3A] : memref<2x10240x128xf32, #tpu.memory_space<hbm>> -> memref<1x80x128xf32, #tpu.memory_space<hbm>>
        %dma_wait3A_33 = tpu.memref_squeeze %dma_wait3A_32 : memref<1x80x128xf32, #tpu.memory_space<hbm>> -> memref<80x128xf32, #tpu.memory_space<hbm>>
        %dma_wait3A_34 = arith.constant 0 : i32
        %dma_wait3A_35 = tpu.memref_slice %arg6[%arg0, %add3A_26, %dma_wait3A_34] : memref<2x10240x128xf32, #tpu.memory_space<hbm>> -> memref<1x80x128xf32, #tpu.memory_space<hbm>>
        %dma_wait3A_36 = tpu.memref_squeeze %dma_wait3A_35 : memref<1x80x128xf32, #tpu.memory_space<hbm>> -> memref<80x128xf32, #tpu.memory_space<hbm>>
        tpu.wait_dma2 semaphore(%run_scoped3A : memref<!tpu.dma_semaphore, #tpu.memory_space<semaphore_mem>>) src(%arg9 : memref<80x128xf32, #tpu.memory_space<vmem>>) dst(%dma_wait3A_36 : memref<80x128xf32, #tpu.memory_space<hbm>>)
        tpu.yield
      }) : () -> ()
    }
    %scan3A_22 = arith.constant 8 : i32
    return
  }
}

module attributes {stable_mosaic.version = 14 : i64} {
  func.func @_tc_body(%arg0: i32, %arg1: memref<2x1000x128xf32, #tpu.memory_space<vmem>>, %arg2: memref<2x1000x128xf32, #tpu.memory_space<vmem>>, %arg3: memref<1000x128xf32, #tpu.memory_space<vmem>>, %arg4: memref<128x128xf32, #tpu.memory_space<vmem>>, %arg5: memref<1x128xf32, #tpu.memory_space<vmem>>, %arg6: memref<1000x128xf32, #tpu.memory_space<vmem>>) attributes {dimension_semantics = [#tpu.dimension_semantics<arbitrary>], iteration_bounds = array<i64: 10>, scalar_prefetch = 0 : i64, scratch_operands = 0 : i64, tpu.core_type = #tpu.core_type<tc>, window_params = [{transform_indices = @transform_0, window_bounds = array<i64: 2, 1000, 128>}, {transform_indices = @transform_1, window_bounds = array<i64: 2, 1000, 128>}, {transform_indices = @transform_2, window_bounds = array<i64: 1000, 128>}, {pipeline_mode = #tpu.pipeline_mode<synchronous>, transform_indices = @transform_3, window_bounds = array<i64: 128, 128>}, {pipeline_mode = #tpu.pipeline_mode<synchronous>, transform_indices = @transform_4, window_bounds = array<i64: 1, 128>}, {transform_indices = @transform_5, window_bounds = array<i64: 1000, 128>}]} {
    %get3A = arith.constant 0 : index
    %get3A_0 = arith.constant 0 : index
    %get3A_1 = arith.constant 0 : index
    %get3A_2 = vector.load %arg1[%get3A, %get3A_0, %get3A_1] : memref<2x1000x128xf32, #tpu.memory_space<vmem>>, vector<1x1000x128xf32>
    %get3A_3 = vector.shape_cast %get3A_2 : vector<1x1000x128xf32> to vector<1000x128xf32>
    %get3A_4 = arith.constant 1 : index
    %get3A_5 = arith.constant 0 : index
    %get3A_6 = arith.constant 0 : index
    %get3A_7 = vector.load %arg1[%get3A_4, %get3A_5, %get3A_6] : memref<2x1000x128xf32, #tpu.memory_space<vmem>>, vector<1x1000x128xf32>
    %get3A_8 = vector.shape_cast %get3A_7 : vector<1x1000x128xf32> to vector<1000x128xf32>
    %add3A = arith.addf %get3A_3, %get3A_8 : vector<1000x128xf32>
    %get3A_9 = arith.constant 0 : index
    %get3A_10 = arith.constant 0 : index
    %get3A_11 = arith.constant 0 : index
    %get3A_12 = vector.load %arg2[%get3A_9, %get3A_10, %get3A_11] : memref<2x1000x128xf32, #tpu.memory_space<vmem>>, vector<1x1000x1xf32>
    %get3A_13 = vector.shape_cast %get3A_12 : vector<1x1000x1xf32> to vector<1000x1xf32>
    %get3A_14 = arith.constant 1 : index
    %get3A_15 = arith.constant 0 : index
    %get3A_16 = arith.constant 0 : index
    %get3A_17 = vector.load %arg2[%get3A_14, %get3A_15, %get3A_16] : memref<2x1000x128xf32, #tpu.memory_space<vmem>>, vector<1x1000x1xf32>
    %get3A_18 = vector.shape_cast %get3A_17 : vector<1x1000x1xf32> to vector<1000x1xf32>
    %add3A_19 = arith.addf %get3A_13, %get3A_18 : vector<1000x1xf32>
    %gt3A = arith.constant 0.000000e+00 : f32
    %gt3A_20 = vector.broadcast %gt3A : f32 to vector<1000x1xf32>
    %gt3A_21 = arith.cmpf ogt, %add3A_19, %gt3A_20 : vector<1000x1xf32>
    %max3A = arith.constant 1.000000e+00 : f32
    %max3A_22 = vector.broadcast %max3A : f32 to vector<1000x1xf32>
    %max3A_23 = arith.maximumf %add3A_19, %max3A_22 : vector<1000x1xf32>
    %div3A = vector.broadcast %max3A_23 : vector<1000x1xf32> to vector<1000x128xf32>
    %div3A_24 = arith.divf %add3A, %div3A : vector<1000x128xf32>
    %get3A_25 = arith.constant 0 : index
    %get3A_26 = arith.constant 0 : index
    %get3A_27 = vector.load %arg3[%get3A_25, %get3A_26] : memref<1000x128xf32, #tpu.memory_space<vmem>>, vector<1000x128xf32>
    %broadcast_in_dim3A = vector.shape_cast %gt3A_21 : vector<1000x1xi1> to vector<1000x1xi1>
    %broadcast_in_dim3A_28 = vector.broadcast %broadcast_in_dim3A : vector<1000x1xi1> to vector<1000x128xi1>
    %select_n3A = arith.select %broadcast_in_dim3A_28, %div3A_24, %get3A_27 : vector<1000x128xi1>, vector<1000x128xf32>
    %get3A_29 = arith.constant 0 : index
    %get3A_30 = arith.constant 0 : index
    %get3A_31 = vector.load %arg4[%get3A_29, %get3A_30] : memref<128x128xf32, #tpu.memory_space<vmem>>, vector<128x128xf32>
    %dot_general3A = arith.constant dense<0.000000e+00> : vector<1000x128xf32>
    %dot_general3A_32 = tpu.matmul %select_n3A, %get3A_31, %dot_general3A {dimension_numbers = #tpu.dot_dimension_numbers<[1], [1], [0], [0], [0, 0, 1, 0], [], []>, transpose_lhs_hint = false} : vector<1000x128xf32>, vector<128x128xf32>, vector<1000x128xf32> -> vector<1000x128xf32>
    %get3A_33 = arith.constant 0 : index
    %get3A_34 = arith.constant 0 : index
    %get3A_35 = vector.load %arg5[%get3A_33, %get3A_34] : memref<1x128xf32, #tpu.memory_space<vmem>>, vector<1x128xf32>
    %add3A_36 = vector.broadcast %get3A_35 : vector<1x128xf32> to vector<1000x128xf32>
    %add3A_37 = arith.addf %dot_general3A_32, %add3A_36 : vector<1000x128xf32>
    %max3A_38 = arith.constant 0.000000e+00 : f32
    %max3A_39 = vector.broadcast %max3A_38 : f32 to vector<1000x128xf32>
    %max3A_40 = arith.maximumf %add3A_37, %max3A_39 : vector<1000x128xf32>
    %swap3A = arith.constant 0 : index
    %swap3A_41 = arith.constant 0 : index
    %swap3A_42 = vector.load %arg6[%swap3A, %swap3A_41] : memref<1000x128xf32, #tpu.memory_space<vmem>>, vector<1000x128xf32>
    tpu.vector_store %arg6[%swap3A, %swap3A_41], %max3A_40 {strides = array<i32>} : memref<1000x128xf32, #tpu.memory_space<vmem>>, vector<1000x128xf32>,
    return
  }
  func.func @transform_0(%arg0: i32) -> (i32, i32, i32) {
    %c0_i32 = arith.constant 0 : i32
    %c0_i32_0 = arith.constant 0 : i32
    %c0_i32_1 = arith.constant 0 : i32
    return %c0_i32, %arg0, %c0_i32_0 : i32, i32, i32
  }
  func.func @transform_1(%arg0: i32) -> (i32, i32, i32) {
    %c0_i32 = arith.constant 0 : i32
    %c0_i32_0 = arith.constant 0 : i32
    %c0_i32_1 = arith.constant 0 : i32
    return %c0_i32, %arg0, %c0_i32_0 : i32, i32, i32
  }
  func.func @transform_2(%arg0: i32) -> (i32, i32) {
    %c0_i32 = arith.constant 0 : i32
    %c0_i32_0 = arith.constant 0 : i32
    return %arg0, %c0_i32 : i32, i32
  }
  func.func @transform_3(%arg0: i32) -> (i32, i32) {
    %c0_i32 = arith.constant 0 : i32
    %c0_i32_0 = arith.constant 0 : i32
    %c0_i32_1 = arith.constant 0 : i32
    return %c0_i32, %c0_i32_0 : i32, i32
  }
  func.func @transform_4(%arg0: i32) -> (i32, i32) {
    %c0_i32 = arith.constant 0 : i32
    %c0_i32_0 = arith.constant 0 : i32
    %c0_i32_1 = arith.constant 0 : i32
    return %c0_i32, %c0_i32_0 : i32, i32
  }
  func.func @transform_5(%arg0: i32) -> (i32, i32) {
    %c0_i32 = arith.constant 0 : i32
    %c0_i32_0 = arith.constant 0 : i32
    return %arg0, %c0_i32 : i32, i32
  }
}

</mosaic_0001>

<sc_bundles>
// kernel: kernel.5.cloned.1.call-start
scs
__scs_entry_jumppad:
0x0: {  	(pc) =	sbr.rel $0x88, $3  }
0x1: {  	(tag) =	ssettag $0x0;
	lr =	simm.s32 $0x1  }
0x2: {  	[smem:$0x3F9D] =	sst lr;
	_ =	strace $0xD0000000  }
0x3: {  	_ = 	snop  }
0x4: {  	_ = 	snop  }
0x5: {  	_ = 	snop  }
0x6: {  	_ = 	snop  }
0x7: {  	_ = 	snop  }
__scs_overlays_trampoline_lowered:
0x8: {  	[smem:$0x3FAC] =	sst s0  }
0x9: {  	[smem:$0x3FAD] =	sst s1  }
0xa: {  	[smem:$0x3FAE] =	sst s2  }
0xb: {  	[smem:$0x3FAF] =	sst s3  }
0xc: {  	[smem:$0x3FB0] =	sst s4  }
0xd: {  	[smem:$0x3FB1] =	sst s5  }
0xe: {  	[smem:$0x3FB2] =	sst s6  }
0xf: {  	[smem:$0x3FB3] =	sst s7  }
0x10: {  	[smem:$0x3FB4] =	sst s8  }
0x11: {  	[smem:$0x3FB5] =	sst s9;
	s0 =	simm.s32 @!p0 $0x0  }
0x12: {  	s1 =	sld [smem:$0x3F9B];
	s0 =	simm.s32 @p0 $0x1  }
0x13: {  	[smem:$0x3FB6] =	sst s0;
	s0 =	simm.s32 @!p1 $0x0  }
0x14: {  	s2 =	sld [smem:$0x3F9A];
	s0 =	simm.s32 @p1 $0x1  }
0x15: {  	[smem:$0x3FB7] =	sst s0;
	s0 =	simm.s32 @!p2 $0x0  }
0x16: {  	s3 =	sld [smem:$0x3FDB];
	s0 =	simm.s32 @p2 $0x1  }
0x17: {  	s4 =	simm.s32 $0x1BF5;
	[smem:$0x3FB9] =	sst s0  }
0x18: {  	s0 =	sld [smem:$0x3F9C];
	_ =	swait.ge [sflag:s4], $0x0  }
0x19: {  	s7 =	sld [smem:$0x3F9D]  }
0x1a: {  	s8 =	sadd.s32 $0xFFFFE003, lr  }
0x1b: {  	s9 =	sadd.s32 $0xFFFFFEF7, lr;
	s5 =	simm.s32 $0xFFFFFFFF;
	p2 =	slt.u32 s8, $0xFFFFF086  }
0x1c: {  	p1 =	slt.u32 s9, $0xF7A;
	s5 =	simm.s32 @!p2 $0x0  }
0x1d: {  	s5 =	simm.s32 @p1 $0x1;
	p0 =	seq.s32 s7, s2  }
0x1e: {  	s7 =	smul.u32 @!p0 $0xF7A, s2;
	p2 =	seq.s32 @!p0 s5, $0x0  }
0x1f: {  	s9 =	smul.u32 $0xF7A, s1;
	s8 =	simm.s32 @!p0 $0x1BF5;
	p2 =	por !p2, p0  }
0x20: {  	[sflag:s8] =	ssyncset.s32 @!p0 $0xFFFFF086;
	s6 =	sadd.s32 @!p0 s3, s7;
	s7 =	simm.s32 @!p0 $0x108  }
0x21: {  	s3 =	sadd.s32 s3, s9;
	s6 =	sadd.s32 @!p0 $0x88, s6;
	s7 =	simm.s32 @p2 $0x1082  }
0x22: {  	[simem:s7], [sflag:s8] =	dma.local @!p0 [hbm:s6], $0xF7A  }
0x23: {  	s9 =	sor.u32 $0xD0000000, s2;
	s6 =	simm.s32 $0x108;
	_ =	swait.ge @!p0 [sflag:s8], $0x0  }
0x24: {  	s3 =	sadd.s32 $0x88, s3;
	s6 =	simm.s32 @!p1 $0x1082;
	[sflag:s4] =	ssyncset.s32 $0xFFFFF086  }
0x25: {  	[simem:s6], [sflag:s4] =	dma.local [hbm:s3], $0xF7A  }
0x26: {  	[smem:$0x3F9D] =	sst s1;
	(tag) =	ssettag s2;
	_ =	strace s9  }
0x27: {  	s1 =	sld [smem:$0x3FAD]  }
0x28: {  	s2 =	sld [smem:$0x3FAE]  }
0x29: {  	s4 =	sld [smem:$0x3FB0]  }
0x2a: {  	p0 =	seq.s32 s5, $0x0;
	s5 =	sld [smem:$0x3FB1]  }
0x2b: {  	s6 =	sld [smem:$0x3FB2]  }
0x2c: {  	s7 =	sld [smem:$0x3FB3]  }
0x2d: {  	s3 =	simm.s32 $0x108;
	s8 =	sld [smem:$0x3FB4]  }
0x2e: {  	s3 =	simm.s32 @!p0 $0x1082;
	s9 =	sld [smem:$0x3FB5]  }
0x2f: {  	lr =	sadd.s32 s0, s3;
	s0 =	sld [smem:$0x3FAC]  }
0x30: {  	s3 =	sld [smem:$0x3FAF]  }
0x31: {  	[smem:$0x3FB8] =	sst s10  }
0x32: {  	s10 =	sld [smem:$0x3FB6];
	_ =	sdelay $0x3  }
0x33: {  	p0 =	seq.s32 s10, $0x1;
	s10 =	sld [smem:$0x3FB8];
	_ =	sdelay $0x3  }
0x34: {  	[smem:$0x3FB8] =	sst s10  }
0x35: {  	s10 =	sld [smem:$0x3FB7];
	_ =	sdelay $0x3  }
0x36: {  	p1 =	seq.s32 s10, $0x1;
	s10 =	sld [smem:$0x3FB8];
	_ =	sdelay $0x3  }
0x37: {  	[smem:$0x3FB8] =	sst s10  }
0x38: {  	s10 =	sld [smem:$0x3FB9]  }
0x39: {  	_ = 	snop;
	(pc) =	sbr.ind lr, $3  }
0x3a: {  	_ = 	snop  }
0x3b: {  	_ = 	snop  }
0x3c: {  	p2 =	seq.s32 s10, $0x1;
	s10 =	sld [smem:$0x3FB8]  }
0x3d: {  	_ =	shalt  }
0x3e: {  	_ =	shalt  }
0x3f: {  	_ =	shalt  }
0x40: {  	_ =	shalt  }
0x41: {  	_ =	shalt  }
0x42: {  	_ =	shalt  }
0x43: {  	_ =	shalt  }
0x44: {  	_ =	shalt  }
0x45: {  	_ =	shalt  }
0x46: {  	_ =	shalt  }
0x47: {  	_ =	shalt  }
0x48: {  	_ =	shalt  }
0x49: {  	_ =	shalt  }
0x4a: {  	_ =	shalt  }
0x4b: {  	_ =	shalt  }
0x4c: {  	_ =	shalt  }
0x4d: {  	_ =	shalt  }
0x4e: {  	_ =	shalt  }
0x4f: {  	_ =	shalt  }
0x50: {  	_ =	shalt  }
0x51: {  	_ =	shalt  }
0x52: {  	_ =	shalt  }
0x53: {  	_ =	shalt  }
0x54: {  	_ =	shalt  }
0x55: {  	_ =	shalt  }
0x56: {  	_ =	shalt  }
0x57: {  	_ =	shalt  }
0x58: {  	_ =	shalt  }
0x59: {  	_ =	shalt  }
0x5a: {  	_ =	shalt  }
0x5b: {  	_ =	shalt  }
0x5c: {  	_ =	shalt  }
0x5d: {  	_ =	shalt  }
0x5e: {  	_ =	shalt  }
0x5f: {  	_ =	shalt  }
0x60: {  	_ =	shalt  }
0x61: {  	_ =	shalt  }
0x62: {  	_ =	shalt  }
0x63: {  	_ =	shalt  }
0x64: {  	_ =	shalt  }
0x65: {  	_ =	shalt  }
0x66: {  	_ =	shalt  }
0x67: {  	_ =	shalt  }
0x68: {  	_ =	shalt  }
0x69: {  	_ =	shalt  }
0x6a: {  	_ =	shalt  }
0x6b: {  	_ =	shalt  }
0x6c: {  	_ =	shalt  }
0x6d: {  	_ =	shalt  }
0x6e: {  	_ =	shalt  }
0x6f: {  	_ =	shalt  }
0x70: {  	_ =	shalt  }
0x71: {  	_ =	shalt  }
0x72: {  	_ =	shalt  }
0x73: {  	_ =	shalt  }
0x74: {  	_ =	shalt  }
0x75: {  	_ =	shalt  }
0x76: {  	_ =	shalt  }
0x77: {  	_ =	shalt  }
0x78: {  	_ =	shalt  }
0x79: {  	_ =	shalt  }
0x7a: {  	_ =	shalt  }
0x7b: {  	_ =	shalt  }
0x7c: {  	_ =	shalt  }
0x7d: {  	_ =	shalt  }
0x7e: {  	_ =	shalt  }
0x7f: {  	_ =	shalt  }
0x80: {  	_ =	shalt  }
0x81: {  	_ =	shalt  }
0x82: {  	_ =	shalt  }
0x83: {  	_ =	shalt  }
0x84: {  	_ =	shalt  }
0x85: {  	_ =	shalt  }
0x86: {  	_ =	shalt  }
0x87: {  	_ =	shalt  }
.Lfunc_end0:
.L_simem_size_0:
called_computation_lowered:
.L_overlay_start_0:
0x88: {  	s2 =	sld [smem:$0x3FD9]  }
0x89: {  	s3 =	sld [smem:$0x3FFE];
	_ =	sdelay $0x1  }
0x8a: {  	s1 =	srdreg.scid  }
0x8b: {  	s0 =	sand.u32 $0x1, s1  }
0x8c: {  	s17 =	sshll.u32 s0, $0xA;
	s2 =	sadd.s32 s3, s2  }
0x8d: {  	s2 =	sadd.s32 s2, s17  }
0x8e: {  	[smem:$0x3FC4] =	sst s2  }
0x8f: {  	_ = 	snop  }
0x90: {  	s18 =	sld [smem:$0x3FC9];
	(tm) =	ssettm $0x1  }
0x91: {  	s19 =	sld [smem:$0x3FFB];
	_ =	sdelay $0x3  }
0x92: {  	_ =	strace s19  }
0x93: {  	s2 =	sld [smem:$0x3FFC];
	_ =	sdelay $0x3  }
0x94: {  	_ =	strace s2  }
0x95: {  	s2 =	sld [smem:$0x3FFD];
	_ =	sdelay $0x3  }
0x96: {  	_ =	strace s2  }
0x97: {  	_ =	strace $0x8FFFFFFF  }
0x98: {  	s20 =	sld [smem:$0x3FDB];
	_ =	sdelay $0x1  }
0x99: {  	s4 =	simm.s32 $_scs_section_size  }
0x9a: {  	s5 =	simm.s32 $_size__tile_overlayer_lowered;
	s6 =	simm.s32 $_tile_overlayer_lowered  }
0x9b: {  	s7 =	simm.s32 $0x1BFF;
	s21 =	sshll.u32 s6, $0x1;
	s4 =	sadd.s32 s4, s20  }
0x9c: {  	s22 =	simm.s32 $0x0;
	s5 =	sshll.u32 s5, $0x1;
	s6 =	sadd.s32 s21, s4  }
0x9d: {  	[timem:s22], [sflag:s7] =	dma.local [hbm:s6], s5  }
0x9e: {  	_ =	swait.ge [sflag:s7], s5  }
0x9f: {  	s5 =	ssub.s32 $0x0, s5;
	[sflag:s7] =	ssyncset.done $0x0  }
0xa0: {  	[sflag:s7] =	ssyncadd.s32 s5;
	_ =	sdelay $0x1  }
0xa1: {  	s23 =	simm.s32 $0x1B8B  }
0xa2: {  	_ =	swait.ge [sflag:s23], $0x1  }
0xa3: {  	[sflag:s23] =	ssyncset.done $0x0  }
0xa4: {  	[sflag:s23] =	ssyncadd.s32 $0xFFFFFFFF  }
0xa5: {  	s5 =	sld [smem:$0x0]  }
0xa6: {  	s6 =	sand.u32 $0xFFFFFFFE, s1  }
0xa7: {  	p0 =	sne.s32 s1, s6  }
0xa8: {  	s6 =	sshll.u32 @p0 s6, $0xE  }
0xa9: {  	s6 =	sadd.s32 @p0 $0x11B8D, s6;
	s7 =	sshll.u32 @p0 s5, $0x11  }
0xaa: {  	s6 =	sor.u32 @p0 s7, s6  }
0xab: {  	[sflag:s6] =	ssyncadd.remote.s32 @p0 $0x1;
	_ =	sdelay $0x1  }
0xac: {  	s6 =	simm.s32 @p0 $0x1B8D  }
0xad: {  	_ =	swait.eq @p0 [sflag:s6], $0x1  }
0xae: {  	[sflag:s6] =	ssyncadd.s32 @p0 $0xFFFFFFFF  }
0xaf: {  	s7 =	sshll.u32 @!p0 s1, $0xE  }
0xb0: {  	s7 =	sor.u32 @!p0 $0x4000, s7;
	s6 =	simm.s32 @!p0 $0x1B8D  }
0xb1: {  	s5 =	sshll.u32 @!p0 s5, $0x11;
	s7 =	sadd.s32 @!p0 $0x11B8D, s7;
	_ =	swait.eq @!p0 [sflag:s6], $0x1  }
0xb2: {  	s5 =	sor.u32 @!p0 s5, s7;
	[sflag:s6] =	ssyncadd.s32 @!p0 $0xFFFFFFFF  }
0xb3: {  	s25 =	simm.s32 $0x1B8E;
	s24 =	sld [smem:$0x3FFE];
	[sflag:s5] =	ssyncadd.remote.s32 @!p0 $0x1  }
0xb4: {  	s26 =	simm.s32 $execute0_lowered;
	[smem:$0x3FD2] =	sst s25  }
0xb5: {  	s6 =	sshll.u32 s26, $0x1;
	_ =	strace $0x80000049;
	[dreg:$0x1] =	wrdreg $0xFFFFFFFF  }
0xb6: {  	s28 =	simm.s32 $_size_execute0_lowered;
	s4 =	sadd.s32 s4, s6;
	[dreg:$0x0] =	wrdreg $0x0  }
0xb7: {  	s6 =	sshll.u32 s28, $0x1;
	[dreg:$0x2] =	wrdreg s4  }
0xb8: {  	[dreg:$0x3] =	wrdreg s6  }
0xb9: {  	[dreg:$0x4] =	wrdreg $0xC0  }
0xba: {  	_ =	task [dreg:s22], $0x5FFFF  }
0xbb: {  	[dreg:$0x1] =	wrdreg $0xFFFFFFFF  }
0xbc: {  	[dreg:$0x0] =	wrdreg $0x60  }
0xbd: {  	[dreg:$0x2] =	wrdreg s18  }
0xbe: {  	[dreg:$0x3] =	wrdreg s24  }
0xbf: {  	[dreg:$0x4] =	wrdreg $0x29000  }
0xc0: {  	[dreg:$0x5] =	wrdreg $0x9  }
0xc1: {  	_ =	task.clear_ibuf [dreg:s22], $0x6FFFF;
	_ =	strace $0x90000049  }
0xc2: {  	s29 =	simm.s32 $0x9;
	_ =	strace $0x8000004B  }
0xc3: {  	_ =	swait.ge [sflag:s29], $0x1  }
0xc4: {  	[sflag:s29] =	ssyncadd.s32 $0xFFFFFFFF  }
0xc5: {  	_ =	strace $0x9000004B  }
0xc6: {  	_ =	sfence  }
0xc7: {  	s30 =	sld [smem:$0x0];
	_ =	sdelay $0x2  }
0xc8: {  	s31 =	sshll.u32 s1, $0xD;
	s1 =	sshrl.u32 s1, $0x2  }
0xc9: {  	s4 =	sand.u32 $0x4000, s31;
	s1 =	sadd.s32 s1, s30  }
0xca: {  	s0 =	sor.u32 s4, s0;
	s1 =	sshll.u32 s1, $0x11  }
0xcb: {  	s0 =	sor.u32 s1, s0  }
0xcc: {  	s0 =	sadd.s32 $0x8F2B, s0  }
0xcd: {  	[sflag:s0] =	ssyncadd.remote.s32 $0x1  }
0xce: {  	_ =	sfence.sel $0xFFFF  }
0xcf: {  	[dreg:$0x0] =	wrdreg $0xFFFFFFFF;
	(pc) =	sbr.abs _section_cstart, $3  }
0xd0: {  	[dreg:$0x1] =	wrdreg $0xFFFFFFFF  }
0xd1: {  	_ =	task.clear_ibuf [dreg:s22], $0x2FFFF;
	_ =	strace $0x9FFFFFFF  }
0xd2: {  	(tm) =	ssettm $0x7FFFFFFF  }
0xd3: {  	_ =	shalt  }
tec
execute0_lowered:
.L_overlay_start_1:
0x0: {  	(tag) =	ssettag $0x1  }
0x1: {  	s2 =	rddreg [dreg:$0x0]  }
0x2: {  	s0 =	srdreg.scid;
	s6 =	rddreg [dreg:$0x1]  }
0x3: {  	s9 =	stileid.u32;
	s3 =	rddreg [dreg:$0x2]  }
0x4: {  	s4 =	simm.s32 $0x0;
	s28 =	simm.s32 $0x80;
	s29 =	simm.s32 $0x50  }
0x5: {  	s30 =	simm.s32 $0x1;
	s31 =	simm.s32 $0x0;
	s1 =	smul.u32 $0x4E20, s9  }
0x6: {  	s0 =	sand.u32 $0x1, s0;
	[smem:$0x7FF] =	sst s4;
	s8 =	smul.u32 $0x50000, s9  }
0x7: {  	s20 =	sadd.s32 $0x65400, s6;
	s22 =	sadd.s32 $0x65A00, s6;
	s14 =	smul.u32 $0x14000, s9  }
0x8: {  	s5 =	smul.u32 $0x2710, s0;
	_ =	strace $0x8000004A;
	s7 =	ssub.s32 $0x2, s0  }
0x9: {  	[dreg:$0x4] =	wrdreg s20;
	s0 =	smul.u32 $0x140000, s0;
	s21 =	sshrl.u32 s7, $0x1  }
0xa: {  	s23 =	sshrl.u32 s8, $0x2;
	s15 =	sor.u32 $0x2800, s14;
	s17 =	sadd.s32 $0x5000, s14  }
0xb: {  	s18 =	sadd.s32 $0x7800, s14;
	s19 =	sadd.s32 $0xA000, s14;
	s20 =	sadd.s32 $0xC800, s14  }
0xc: {  	s1 =	sadd.s32 s5, s1;
	s7 =	ssub.s32 s7, s21;
	s8 =	sadd.s32 s15, s3  }
0xd: {  	s9 =	sadd.s32 s17, s3;
	s10 =	sadd.s32 s18, s3;
	s11 =	sadd.s32 s19, s3  }
0xe: {  	s21 =	sadd.s32 $0xF000, s14;
	s12 =	sadd.s32 s20, s3;
	s16 =	sadd.s32 s0, s14  }
0xf: {  	s17 =	sadd.s32 s0, s17;
	s18 =	sadd.s32 s0, s18;
	s19 =	sadd.s32 s0, s19  }
0x10: {  	s20 =	sadd.s32 s0, s20;
	s1 =	sshrl.u32 s1, $0x3;
	s24 =	smax.u32 s7, $0x1  }
0x11: {  	s13 =	sadd.s32 s21, s3;
	s16 =	sshrl.u32 s16, $0x3;
	s17 =	sshrl.u32 s17, $0x3  }
0x12: {  	s18 =	sshrl.u32 s18, $0x3;
	s19 =	sshrl.u32 s19, $0x3;
	s21 =	sadd.s32 s0, s21  }
0x13: {  	s20 =	sshrl.u32 s20, $0x3;
	s1 =	sadd.s32 s1, s6;
	s6 =	sadd.s32 s23, s3  }
0x14: {  	[dreg:$0x5] =	wrdreg s24;
	s23 =	sadd.s32 $0x11800, s14;
	s24 =	sadd.s32 s0, s15  }
0x15: {  	s25 =	sadd.s32 s22, s16;
	s17 =	sadd.s32 s22, s17;
	s18 =	sadd.s32 s22, s18  }
0x16: {  	s19 =	sadd.s32 s22, s19;
	s21 =	sshrl.u32 s21, $0x3;
	s20 =	sadd.s32 s22, s20  }
0x17: {  	s14 =	sadd.s32 s23, s3;
	[dreg:$0x6] =	wrdreg s25;
	s26 =	sshrl.u32 s24, $0x3  }
0x18: {  	s0 =	sadd.s32 s0, s23;
	s21 =	sadd.s32 s22, s21;
	s23 =	sadd.s32 $0xAE00, s1  }
0x19: {  	s24 =	sadd.s32 $0x1000, s1;
	s25 =	simm.s32 $0x100;
	s0 =	sshrl.u32 s0, $0x3  }
0x1a: {  	s16 =	sadd.s32 s22, s26;
	s26 =	simm.s32 $0x2;
	s22 =	sadd.s32 s22, s0  }
.LBB2_1:
0x1b: {  	s0 =	rddreg [dreg:$0x4]  }
0x1c: {  	[tilespmem:s25], [sflag:$0x2] =	stream.linear.gather [hbm4b:s0+s4], $0x2800, $0x38;
	[tilespmem:$0x16900] =	vst v63  }
0x1d: {  	_ =	swait.ge [sflag:s26], $0x2800  }
0x1e: {  	[sflag:s26] =	ssyncset.done $0x0  }
0x1f: {  	[sflag:s26] =	ssyncadd.s32 $0xFFFFD800  }
0x20: {  	[spmem:s6] =	stream.linear.scatter [tilespmem:s25], [sflag:$0x2], $0x2800, $0x38;
	[tilespmem:$0x16900] =	vst v63  }
0x21: {  	_ =	swait.ge [sflag:s26], $0x2800  }
0x22: {  	[sflag:s26] =	ssyncset.done $0x0  }
0x23: {  	[sflag:s26] =	ssyncadd.s32 $0xFFFFD800  }
0x24: {  	[spmem:s8] =	stream.linear.scatter [tilespmem:s25], [sflag:$0x2], $0x2800, $0x38;
	[tilespmem:$0x16900] =	vst v63  }
0x25: {  	_ =	swait.ge [sflag:s26], $0x2800  }
0x26: {  	[sflag:s26] =	ssyncset.done $0x0  }
0x27: {  	[sflag:s26] =	ssyncadd.s32 $0xFFFFD800  }
0x28: {  	[spmem:s9] =	stream.linear.scatter [tilespmem:s25], [sflag:$0x2], $0x2800, $0x38;
	[tilespmem:$0x16900] =	vst v63  }
0x29: {  	_ =	swait.ge [sflag:s26], $0x2800  }
0x2a: {  	[sflag:s26] =	ssyncset.done $0x0  }
0x2b: {  	[sflag:s26] =	ssyncadd.s32 $0xFFFFD800  }
0x2c: {  	[spmem:s10] =	stream.linear.scatter [tilespmem:s25], [sflag:$0x2], $0x2800, $0x38;
	[tilespmem:$0x16900] =	vst v63  }
0x2d: {  	_ =	swait.ge [sflag:s26], $0x2800  }
0x2e: {  	[sflag:s26] =	ssyncset.done $0x0  }
0x2f: {  	[sflag:s26] =	ssyncadd.s32 $0xFFFFD800  }
0x30: {  	[spmem:s11] =	stream.linear.scatter [tilespmem:s25], [sflag:$0x2], $0x2800, $0x38;
	[tilespmem:$0x16900] =	vst v63  }
0x31: {  	_ =	swait.ge [sflag:s26], $0x2800  }
0x32: {  	[sflag:s26] =	ssyncset.done $0x0  }
0x33: {  	[sflag:s26] =	ssyncadd.s32 $0xFFFFD800  }
0x34: {  	[spmem:s12] =	stream.linear.scatter [tilespmem:s25], [sflag:$0x2], $0x2800, $0x38;
	[tilespmem:$0x16900] =	vst v63  }
0x35: {  	_ =	swait.ge [sflag:s26], $0x2800  }
0x36: {  	[sflag:s26] =	ssyncset.done $0x0  }
0x37: {  	[sflag:s26] =	ssyncadd.s32 $0xFFFFD800  }
0x38: {  	[spmem:s13] =	stream.linear.scatter [tilespmem:s25], [sflag:$0x2], $0x2800, $0x38;
	[tilespmem:$0x16900] =	vst v63  }
0x39: {  	_ =	swait.ge [sflag:s26], $0x2800  }
0x3a: {  	[sflag:s26] =	ssyncset.done $0x0  }
0x3b: {  	[sflag:s26] =	ssyncadd.s32 $0xFFFFD800  }
0x3c: {  	[spmem:s14] =	stream.linear.scatter [tilespmem:s25], [sflag:$0x2], $0x2800, $0x38;
	[tilespmem:$0x16900] =	vst v63  }
0x3d: {  	_ =	swait.ge [sflag:s26], $0x2800  }
0x3e: {  	[sflag:s26] =	ssyncset.done $0x0  }
0x3f: {  	[sflag:s26] =	ssyncadd.s32 $0xFFFFD800  }
0x40: {  	s7 =	sadd.s32 $0x0, s24;
	[bflag:$0x0] =	sbarrier.arrive $0xFFFF  }
0x41: {  	[tilespmem:s4], [sflag:$0x2] =	stream.linear.gather [hbm4b:s7+s4], $0x50, $0x38;
	[tilespmem:$0x16900] =	vst v63  }
0x42: {  	_ =	swait.ge [sflag:s26], $0x50  }
0x43: {  	[sflag:s26] =	ssyncset.done $0x0  }
0x44: {  	s15 =	sadd.s32 $0x0, s23;
	[sflag:s26] =	ssyncadd.s32 $0xFFFFFFB0  }
0x45: {  	[tilespmem:s28], [sflag:$0x2] =	stream.linear.gather [hbm4b:s15+s4], $0x50, $0x38;
	[tilespmem:$0x16900] =	vst v63  }
0x46: {  	_ =	swait.ge [sflag:s26], $0x50  }
0x47: {  	[sflag:s26] =	ssyncset.done $0x0  }
0x48: {  	[sflag:s26] =	ssyncadd.s32 $0xFFFFFFB0  }
0x49: {  	[tilespmem:s25], [sflag:$0x1] =	stream.indirect.gather [hbm4b:s2+s29], $0x80, s4, s29, $0xb8;
	[tilespmem:$0x16900] =	vst v63  }
0x4a: {  	_ =	swait.ge [sflag:s30], $0x2800  }
0x4b: {  	[sflag:s30] =	ssyncset.done $0x0  }
0x4c: {  	[sflag:s30] =	ssyncadd.s32 $0xFFFFD800  }
0x4d: {  	[spmem:s3] =	stream.indirect.scatter.add.f32 [tilespmem:s25], [sflag:$0x2], $0x80, s28, s29, $0xb8;
	[tilespmem:$0x16900] =	vst v63  }
0x4e: {  	_ =	swait.ge [sflag:s26], $0x2800  }
0x4f: {  	s1 =	simm.s32 $0xA;
	s0 =	simm.s32 $0x14;
	[sflag:s26] =	ssyncset.done $0x0  }
.LBB2_2:
0x50: {  	s5 =	sadd.s32 s1, s24  }
0x51: {  	[sflag:s26] =	ssyncadd.s32 $0xFFFFD800;
	s7 =	smov.u32 s0;
	s15 =	sadd.s32 $0xA, s0  }
0x52: {  	[tilespmem:s4], [sflag:$0x2] =	stream.linear.gather [hbm4b:s5+s4], $0x50, $0x38;
	[tilespmem:$0x16900] =	vst v63  }
0x53: {  	p0 =	sne.s32 s0, $0x4D8;
	_ =	swait.ge [sflag:s26], $0x50  }
0x54: {  	[sflag:s26] =	ssyncset.done $0x0  }
0x55: {  	s0 =	sadd.s32 s1, s23;
	s1 =	smov.u32 s7;
	[sflag:s26] =	ssyncadd.s32 $0xFFFFFFB0  }
0x56: {  	[tilespmem:s28], [sflag:$0x2] =	stream.linear.gather [hbm4b:s0+s4], $0x50, $0x38;
	[tilespmem:$0x16900] =	vst v63  }
0x57: {  	_ =	swait.ge [sflag:s26], $0x50  }
0x58: {  	[sflag:s26] =	ssyncset.done $0x0  }
0x59: {  	[sflag:s26] =	ssyncadd.s32 $0xFFFFFFB0  }
0x5a: {  	[tilespmem:s25], [sflag:$0x1] =	stream.indirect.gather [hbm4b:s2+s29], $0x80, s4, s29, $0xb8;
	[tilespmem:$0x16900] =	vst v63  }
0x5b: {  	_ =	swait.ge [sflag:s30], $0x2800  }
.Ltmp0:
0x5c: {  	[sflag:s30] =	ssyncset.done $0x0;
	(pc) =	sbr.rel @p0 .LBB2_2-.Ltmp0, $4  }
0x5d: {  	[sflag:s30] =	ssyncadd.s32 $0xFFFFD800  }
0x5e: {  	[spmem:s3] =	stream.indirect.scatter.add.f32 [tilespmem:s25], [sflag:$0x2], $0x80, s28, s29, $0xb8;
	[tilespmem:$0x16900] =	vst v63  }
0x5f: {  	_ =	swait.ge [sflag:s26], $0x2800  }
0x60: {  	s0 =	smov.u32 s15;
	[sflag:s26] =	ssyncset.done $0x0  }
0x61: {  	s0 =	sadd.s32 s1, s24;
	[sflag:s26] =	ssyncadd.s32 $0xFFFFD800  }
0x62: {  	[tilespmem:s4], [sflag:$0x2] =	stream.linear.gather [hbm4b:s0+s4], $0x50, $0x38;
	[tilespmem:$0x16900] =	vst v63  }
0x63: {  	_ =	swait.ge [sflag:s26], $0x50  }
0x64: {  	[sflag:s26] =	ssyncset.done $0x0  }
0x65: {  	s5 =	sadd.s32 s1, s23;
	[sflag:s26] =	ssyncadd.s32 $0xFFFFFFB0  }
0x66: {  	[tilespmem:s28], [sflag:$0x2] =	stream.linear.gather [hbm4b:s5+s4], $0x50, $0x38;
	[tilespmem:$0x16900] =	vst v63  }
0x67: {  	_ =	swait.ge [sflag:s26], $0x50  }
0x68: {  	[sflag:s26] =	ssyncset.done $0x0  }
0x69: {  	[sflag:s26] =	ssyncadd.s32 $0xFFFFFFB0  }
0x6a: {  	[tilespmem:s25], [sflag:$0x1] =	stream.indirect.gather [hbm4b:s2+s29], $0x80, s4, s29, $0xb8;
	[tilespmem:$0x16900] =	vst v63  }
0x6b: {  	_ =	swait.ge [sflag:s30], $0x2800  }
0x6c: {  	[sflag:s30] =	ssyncset.done $0x0  }
0x6d: {  	[sflag:s30] =	ssyncadd.s32 $0xFFFFD800  }
0x6e: {  	[spmem:s3] =	stream.indirect.scatter.add.f32 [tilespmem:s25], [sflag:$0x2], $0x80, s28, s29, $0xb8;
	[tilespmem:$0x16900] =	vst v63  }
0x6f: {  	_ =	swait.ge [sflag:s26], $0x2800  }
0x70: {  	[sflag:s26] =	ssyncset.done $0x0  }
0x71: {  	[sflag:s26] =	ssyncadd.s32 $0xFFFFD800  }
0x72: {  	[bflag:$0x0] =	sbarrier.arrive $0xFFFF  }
0x73: {  	[tilespmem:s25], [sflag:$0x2] =	stream.linear.gather [spmem:s6], $0x2800, $0x38;
	[tilespmem:$0x16900] =	vst v63  }
0x74: {  	_ =	swait.ge [sflag:s26], $0x2800  }
0x75: {  	[sflag:s26] =	ssyncset.done $0x0  }
0x76: {  	s7 =	rddreg [dreg:$0x6];
	[sflag:s26] =	ssyncadd.s32 $0xFFFFD800  }
0x77: {  	[hbm4b:s7+s4] =	stream.linear.scatter [tilespmem:s25], [sflag:$0x2], $0x2800, $0x38;
	[tilespmem:$0x16900] =	vst v63  }
0x78: {  	_ =	swait.ge [sflag:s26], $0x2800  }
0x79: {  	[sflag:s26] =	ssyncset.done $0x0  }
0x7a: {  	[sflag:s26] =	ssyncadd.s32 $0xFFFFD800  }
0x7b: {  	[tilespmem:s25], [sflag:$0x2] =	stream.linear.gather [spmem:s8], $0x2800, $0x38;
	[tilespmem:$0x16900] =	vst v63  }
0x7c: {  	_ =	swait.ge [sflag:s26], $0x2800  }
0x7d: {  	[sflag:s26] =	ssyncset.done $0x0  }
0x7e: {  	[sflag:s26] =	ssyncadd.s32 $0xFFFFD800  }
0x7f: {  	[hbm4b:s16+s4] =	stream.linear.scatter [tilespmem:s25], [sflag:$0x2], $0x2800, $0x38;
	[tilespmem:$0x16900] =	vst v63  }
0x80: {  	_ =	swait.ge [sflag:s26], $0x2800  }
0x81: {  	[sflag:s26] =	ssyncset.done $0x0  }
0x82: {  	[sflag:s26] =	ssyncadd.s32 $0xFFFFD800  }
0x83: {  	[tilespmem:s25], [sflag:$0x2] =	stream.linear.gather [spmem:s9], $0x2800, $0x38;
	[tilespmem:$0x16900] =	vst v63  }
0x84: {  	_ =	swait.ge [sflag:s26], $0x2800  }
0x85: {  	[sflag:s26] =	ssyncset.done $0x0  }
0x86: {  	[sflag:s26] =	ssyncadd.s32 $0xFFFFD800  }
0x87: {  	[hbm4b:s17+s4] =	stream.linear.scatter [tilespmem:s25], [sflag:$0x2], $0x2800, $0x38;
	[tilespmem:$0x16900] =	vst v63  }
0x88: {  	_ =	swait.ge [sflag:s26], $0x2800  }
0x89: {  	[sflag:s26] =	ssyncset.done $0x0  }
0x8a: {  	[sflag:s26] =	ssyncadd.s32 $0xFFFFD800  }
0x8b: {  	[tilespmem:s25], [sflag:$0x2] =	stream.linear.gather [spmem:s10], $0x2800, $0x38;
	[tilespmem:$0x16900] =	vst v63  }
0x8c: {  	_ =	swait.ge [sflag:s26], $0x2800  }
0x8d: {  	[sflag:s26] =	ssyncset.done $0x0  }
0x8e: {  	[sflag:s26] =	ssyncadd.s32 $0xFFFFD800  }
0x8f: {  	[hbm4b:s18+s4] =	stream.linear.scatter [tilespmem:s25], [sflag:$0x2], $0x2800, $0x38;
	[tilespmem:$0x16900] =	vst v63  }
0x90: {  	_ =	swait.ge [sflag:s26], $0x2800  }
0x91: {  	[sflag:s26] =	ssyncset.done $0x0  }
0x92: {  	[sflag:s26] =	ssyncadd.s32 $0xFFFFD800  }
0x93: {  	[tilespmem:s25], [sflag:$0x2] =	stream.linear.gather [spmem:s11], $0x2800, $0x38;
	[tilespmem:$0x16900] =	vst v63  }
0x94: {  	_ =	swait.ge [sflag:s26], $0x2800  }
0x95: {  	[sflag:s26] =	ssyncset.done $0x0  }
0x96: {  	[sflag:s26] =	ssyncadd.s32 $0xFFFFD800  }
0x97: {  	[hbm4b:s19+s4] =	stream.linear.scatter [tilespmem:s25], [sflag:$0x2], $0x2800, $0x38;
	[tilespmem:$0x16900] =	vst v63  }
0x98: {  	_ =	swait.ge [sflag:s26], $0x2800  }
0x99: {  	[sflag:s26] =	ssyncset.done $0x0  }
0x9a: {  	[sflag:s26] =	ssyncadd.s32 $0xFFFFD800  }
0x9b: {  	[tilespmem:s25], [sflag:$0x2] =	stream.linear.gather [spmem:s12], $0x2800, $0x38;
	[tilespmem:$0x16900] =	vst v63  }
0x9c: {  	_ =	swait.ge [sflag:s26], $0x2800  }
0x9d: {  	[sflag:s26] =	ssyncset.done $0x0  }
0x9e: {  	[sflag:s26] =	ssyncadd.s32 $0xFFFFD800  }
0x9f: {  	[hbm4b:s20+s4] =	stream.linear.scatter [tilespmem:s25], [sflag:$0x2], $0x2800, $0x38;
	[tilespmem:$0x16900] =	vst v63  }
0xa0: {  	_ =	swait.ge [sflag:s26], $0x2800  }
0xa1: {  	[sflag:s26] =	ssyncset.done $0x0  }
0xa2: {  	[sflag:s26] =	ssyncadd.s32 $0xFFFFD800  }
0xa3: {  	[tilespmem:s25], [sflag:$0x2] =	stream.linear.gather [spmem:s13], $0x2800, $0x38;
	[tilespmem:$0x16900] =	vst v63  }
0xa4: {  	_ =	swait.ge [sflag:s26], $0x2800  }
0xa5: {  	[sflag:s26] =	ssyncset.done $0x0  }
0xa6: {  	[sflag:s26] =	ssyncadd.s32 $0xFFFFD800  }
0xa7: {  	[hbm4b:s21+s4] =	stream.linear.scatter [tilespmem:s25], [sflag:$0x2], $0x2800, $0x38;
	[tilespmem:$0x16900] =	vst v63  }
0xa8: {  	_ =	swait.ge [sflag:s26], $0x2800  }
0xa9: {  	[sflag:s26] =	ssyncset.done $0x0  }
0xaa: {  	[sflag:s26] =	ssyncadd.s32 $0xFFFFD800  }
0xab: {  	[tilespmem:s25], [sflag:$0x2] =	stream.linear.gather [spmem:s14], $0x2800, $0x38;
	[tilespmem:$0x16900] =	vst v63  }
0xac: {  	_ =	swait.ge [sflag:s26], $0x2800  }
0xad: {  	[sflag:s26] =	ssyncset.done $0x0  }
0xae: {  	[sflag:s26] =	ssyncadd.s32 $0xFFFFD800  }
0xaf: {  	[hbm4b:s22+s4] =	stream.linear.scatter [tilespmem:s25], [sflag:$0x2], $0x2800, $0x38;
	[tilespmem:$0x16900] =	vst v63  }
0xb0: {  	_ =	swait.ge [sflag:s26], $0x2800  }
0xb1: {  	s31 =	sadd.s32 $0x1, s31;
	s15 =	rddreg [dreg:$0x5]  }
0xb2: {  	p0 =	sne.s32 s31, s15  }
.Ltmp1:
0xb3: {  	_ = 	snop;
	(pc) =	sbr.rel @p0 .LBB2_1-.Ltmp1, $3  }
0xb4: {  	_ =	sdelay $0x1  }
0xb5: {  	[sflag:s26] =	ssyncset.done $0x0  }
0xb6: {  	[sflag:s26] =	ssyncadd.s32 $0xFFFFD800  }
0xb7: {  	_ =	sfence.sel $0x180000  }
0xb8: {  	[bflag:$0x0] =	sbarrier.arrive $0xFFFF  }
0xb9: {  	_ =	strace $0x9000004A  }
0xba: {  	s0 =	stileid.u32;
	[bflag:$0x2] =	sbarrier.arrive $0xFFFF  }
0xbb: {  	p0 =	sne.s32 s0, $0x0;
	s0 =	rddreg [dreg:$0x3]  }
0xbc: {  	s0 =	sadd.s32 @!p0 $0x100000, s0  }
0xbd: {  	[sflag:s0] =	ssyncadd.tile.s32 @!p0 $0x1;
	_ =	shalt  }
.Lfunc_end2:
_tile_overlayer_lowered:
.L_overlay_start_2:
0xbe: {  	(tag) =	ssettag $0x2  }
0xbf: {  	s0 =	rddreg [dreg:$0x0];
	s2 =	stileid.u32  }
0xc0: {  	s1 =	rddreg [dreg:$0x1];
	p0 =	sne.s32 s2, $0x0  }
0xc1: {  	s3 =	rddreg [dreg:$0x2];
	[bflag:$0x3] =	sbarrier.arrive $0xFFFF;
	s2 =	simm.s32 @!p0 $0x1C02  }
0xc2: {  	[timem:s3], [sflag:s2] =	dma.local @!p0 [hbm:s0], s1  }
0xc3: {  	s0 =	simm.s32 @!p0 $0x2  }
0xc4: {  	_ =	swait.ge @!p0 [sflag:s0], s1  }
0xc5: {  	s1 =	ssub.s32 @!p0 $0x0, s1;
	[sflag:s0] =	ssyncset.done @!p0 $0x0  }
0xc6: {  	[sflag:s0] =	ssyncadd.s32 @!p0 s1  }
0xc7: {  	[bflag:$0x3] =	sbarrier.arrive $0xFFFF  }
0xc8: {  	_ =	shalt  }

// kernel: kernel.8.cloned.1.call-start
scs
__scs_entry_jumppad:
0x0: {  	(pc) =	sbr.rel $0x88, $3  }
0x1: {  	(tag) =	ssettag $0x0;
	lr =	simm.s32 $0x1  }
0x2: {  	[smem:$0x3F9D] =	sst lr;
	_ =	strace $0xD0000000  }
0x3: {  	_ = 	snop  }
0x4: {  	_ = 	snop  }
0x5: {  	_ = 	snop  }
0x6: {  	_ = 	snop  }
0x7: {  	_ = 	snop  }
__scs_overlays_trampoline_lowered:
0x8: {  	[smem:$0x3FAC] =	sst s0  }
0x9: {  	[smem:$0x3FAD] =	sst s1  }
0xa: {  	[smem:$0x3FAE] =	sst s2  }
0xb: {  	[smem:$0x3FAF] =	sst s3  }
0xc: {  	[smem:$0x3FB0] =	sst s4  }
0xd: {  	[smem:$0x3FB1] =	sst s5  }
0xe: {  	[smem:$0x3FB2] =	sst s6  }
0xf: {  	[smem:$0x3FB3] =	sst s7  }
0x10: {  	[smem:$0x3FB4] =	sst s8  }
0x11: {  	[smem:$0x3FB5] =	sst s9;
	s0 =	simm.s32 @!p0 $0x0  }
0x12: {  	s1 =	sld [smem:$0x3F9B];
	s0 =	simm.s32 @p0 $0x1  }
0x13: {  	[smem:$0x3FB6] =	sst s0;
	s0 =	simm.s32 @!p1 $0x0  }
0x14: {  	s2 =	sld [smem:$0x3F9A];
	s0 =	simm.s32 @p1 $0x1  }
0x15: {  	[smem:$0x3FB7] =	sst s0;
	s0 =	simm.s32 @!p2 $0x0  }
0x16: {  	s3 =	sld [smem:$0x3FDB];
	s0 =	simm.s32 @p2 $0x1  }
0x17: {  	s4 =	simm.s32 $0x1BF5;
	[smem:$0x3FB9] =	sst s0  }
0x18: {  	s0 =	sld [smem:$0x3F9C];
	_ =	swait.ge [sflag:s4], $0x0  }
0x19: {  	s7 =	sld [smem:$0x3F9D]  }
0x1a: {  	s8 =	sadd.s32 $0xFFFFE003, lr  }
0x1b: {  	s9 =	sadd.s32 $0xFFFFFEF7, lr;
	s5 =	simm.s32 $0xFFFFFFFF;
	p2 =	slt.u32 s8, $0xFFFFF086  }
0x1c: {  	p1 =	slt.u32 s9, $0xF7A;
	s5 =	simm.s32 @!p2 $0x0  }
0x1d: {  	s5 =	simm.s32 @p1 $0x1;
	p0 =	seq.s32 s7, s2  }
0x1e: {  	s7 =	smul.u32 @!p0 $0xF7A, s2;
	p2 =	seq.s32 @!p0 s5, $0x0  }
0x1f: {  	s9 =	smul.u32 $0xF7A, s1;
	s8 =	simm.s32 @!p0 $0x1BF5;
	p2 =	por !p2, p0  }
0x20: {  	[sflag:s8] =	ssyncset.s32 @!p0 $0xFFFFF086;
	s6 =	sadd.s32 @!p0 s3, s7;
	s7 =	simm.s32 @!p0 $0x108  }
0x21: {  	s3 =	sadd.s32 s3, s9;
	s6 =	sadd.s32 @!p0 $0x88, s6;
	s7 =	simm.s32 @p2 $0x1082  }
0x22: {  	[simem:s7], [sflag:s8] =	dma.local @!p0 [hbm:s6], $0xF7A  }
0x23: {  	s9 =	sor.u32 $0xD0000000, s2;
	s6 =	simm.s32 $0x108;
	_ =	swait.ge @!p0 [sflag:s8], $0x0  }
0x24: {  	s3 =	sadd.s32 $0x88, s3;
	s6 =	simm.s32 @!p1 $0x1082;
	[sflag:s4] =	ssyncset.s32 $0xFFFFF086  }
0x25: {  	[simem:s6], [sflag:s4] =	dma.local [hbm:s3], $0xF7A  }
0x26: {  	[smem:$0x3F9D] =	sst s1;
	(tag) =	ssettag s2;
	_ =	strace s9  }
0x27: {  	s1 =	sld [smem:$0x3FAD]  }
0x28: {  	s2 =	sld [smem:$0x3FAE]  }
0x29: {  	s4 =	sld [smem:$0x3FB0]  }
0x2a: {  	p0 =	seq.s32 s5, $0x0;
	s5 =	sld [smem:$0x3FB1]  }
0x2b: {  	s6 =	sld [smem:$0x3FB2]  }
0x2c: {  	s7 =	sld [smem:$0x3FB3]  }
0x2d: {  	s3 =	simm.s32 $0x108;
	s8 =	sld [smem:$0x3FB4]  }
0x2e: {  	s3 =	simm.s32 @!p0 $0x1082;
	s9 =	sld [smem:$0x3FB5]  }
0x2f: {  	lr =	sadd.s32 s0, s3;
	s0 =	sld [smem:$0x3FAC]  }
0x30: {  	s3 =	sld [smem:$0x3FAF]  }
0x31: {  	[smem:$0x3FB8] =	sst s10  }
0x32: {  	s10 =	sld [smem:$0x3FB6];
	_ =	sdelay $0x3  }
0x33: {  	p0 =	seq.s32 s10, $0x1;
	s10 =	sld [smem:$0x3FB8];
	_ =	sdelay $0x3  }
0x34: {  	[smem:$0x3FB8] =	sst s10  }
0x35: {  	s10 =	sld [smem:$0x3FB7];
	_ =	sdelay $0x3  }
0x36: {  	p1 =	seq.s32 s10, $0x1;
	s10 =	sld [smem:$0x3FB8];
	_ =	sdelay $0x3  }
0x37: {  	[smem:$0x3FB8] =	sst s10  }
0x38: {  	s10 =	sld [smem:$0x3FB9]  }
0x39: {  	_ = 	snop;
	(pc) =	sbr.ind lr, $3  }
0x3a: {  	_ = 	snop  }
0x3b: {  	_ = 	snop  }
0x3c: {  	p2 =	seq.s32 s10, $0x1;
	s10 =	sld [smem:$0x3FB8]  }
0x3d: {  	_ =	shalt  }
0x3e: {  	_ =	shalt  }
0x3f: {  	_ =	shalt  }
0x40: {  	_ =	shalt  }
0x41: {  	_ =	shalt  }
0x42: {  	_ =	shalt  }
0x43: {  	_ =	shalt  }
0x44: {  	_ =	shalt  }
0x45: {  	_ =	shalt  }
0x46: {  	_ =	shalt  }
0x47: {  	_ =	shalt  }
0x48: {  	_ =	shalt  }
0x49: {  	_ =	shalt  }
0x4a: {  	_ =	shalt  }
0x4b: {  	_ =	shalt  }
0x4c: {  	_ =	shalt  }
0x4d: {  	_ =	shalt  }
0x4e: {  	_ =	shalt  }
0x4f: {  	_ =	shalt  }
0x50: {  	_ =	shalt  }
0x51: {  	_ =	shalt  }
0x52: {  	_ =	shalt  }
0x53: {  	_ =	shalt  }
0x54: {  	_ =	shalt  }
0x55: {  	_ =	shalt  }
0x56: {  	_ =	shalt  }
0x57: {  	_ =	shalt  }
0x58: {  	_ =	shalt  }
0x59: {  	_ =	shalt  }
0x5a: {  	_ =	shalt  }
0x5b: {  	_ =	shalt  }
0x5c: {  	_ =	shalt  }
0x5d: {  	_ =	shalt  }
0x5e: {  	_ =	shalt  }
0x5f: {  	_ =	shalt  }
0x60: {  	_ =	shalt  }
0x61: {  	_ =	shalt  }
0x62: {  	_ =	shalt  }
0x63: {  	_ =	shalt  }
0x64: {  	_ =	shalt  }
0x65: {  	_ =	shalt  }
0x66: {  	_ =	shalt  }
0x67: {  	_ =	shalt  }
0x68: {  	_ =	shalt  }
0x69: {  	_ =	shalt  }
0x6a: {  	_ =	shalt  }
0x6b: {  	_ =	shalt  }
0x6c: {  	_ =	shalt  }
0x6d: {  	_ =	shalt  }
0x6e: {  	_ =	shalt  }
0x6f: {  	_ =	shalt  }
0x70: {  	_ =	shalt  }
0x71: {  	_ =	shalt  }
0x72: {  	_ =	shalt  }
0x73: {  	_ =	shalt  }
0x74: {  	_ =	shalt  }
0x75: {  	_ =	shalt  }
0x76: {  	_ =	shalt  }
0x77: {  	_ =	shalt  }
0x78: {  	_ =	shalt  }
0x79: {  	_ =	shalt  }
0x7a: {  	_ =	shalt  }
0x7b: {  	_ =	shalt  }
0x7c: {  	_ =	shalt  }
0x7d: {  	_ =	shalt  }
0x7e: {  	_ =	shalt  }
0x7f: {  	_ =	shalt  }
0x80: {  	_ =	shalt  }
0x81: {  	_ =	shalt  }
0x82: {  	_ =	shalt  }
0x83: {  	_ =	shalt  }
0x84: {  	_ =	shalt  }
0x85: {  	_ =	shalt  }
0x86: {  	_ =	shalt  }
0x87: {  	_ =	shalt  }
.Lfunc_end0:
.L_simem_size_0:
called_computation.1_lowered:
.L_overlay_start_0:
0x88: {  	s2 =	sld [smem:$0x3FD9]  }
0x89: {  	s3 =	sld [smem:$0x3FFE];
	_ =	sdelay $0x1  }
0x8a: {  	s1 =	srdreg.scid  }
0x8b: {  	s0 =	sand.u32 $0x1, s1  }
0x8c: {  	s17 =	sshll.u32 s0, $0xA;
	s2 =	sadd.s32 s3, s2  }
0x8d: {  	s2 =	sadd.s32 s2, s17  }
0x8e: {  	[smem:$0x3FC4] =	sst s2  }
0x8f: {  	_ = 	snop  }
0x90: {  	s2 =	sld [smem:$0x3FD0];
	(tm) =	ssettm $0x1  }
0x91: {  	s18 =	sld [smem:$0x3FFB];
	_ =	sdelay $0x3  }
0x92: {  	_ =	strace s18  }
0x93: {  	s3 =	sld [smem:$0x3FFC];
	_ =	sdelay $0x3  }
0x94: {  	_ =	strace s3  }
0x95: {  	s3 =	sld [smem:$0x3FFD];
	_ =	sdelay $0x3  }
0x96: {  	_ =	strace s3  }
0x97: {  	_ =	strace $0x8FFFFFFF  }
0x98: {  	s19 =	sld [smem:$0x3FDB];
	_ =	sdelay $0x1  }
0x99: {  	s4 =	simm.s32 $_scs_section_size  }
0x9a: {  	s5 =	simm.s32 $_size__tile_overlayer_lowered;
	s6 =	simm.s32 $_tile_overlayer_lowered  }
0x9b: {  	s22 =	simm.s32 $0x1BFF;
	s21 =	sshll.u32 s6, $0x1;
	s3 =	sadd.s32 s4, s19  }
0x9c: {  	s7 =	simm.s32 $0x0;
	s20 =	sshll.u32 s5, $0x1;
	s5 =	sadd.s32 s21, s3  }
0x9d: {  	[timem:s7], [sflag:s22] =	dma.local [hbm:s5], s20  }
0x9e: {  	_ =	swait.ge [sflag:s22], s20  }
0x9f: {  	s4 =	ssub.s32 $0x0, s20;
	[sflag:s22] =	ssyncset.done $0x0  }
0xa0: {  	[sflag:s22] =	ssyncadd.s32 s4;
	_ =	sdelay $0x1  }
0xa1: {  	s23 =	simm.s32 $0x1B8B  }
0xa2: {  	_ =	swait.ge [sflag:s23], $0x1  }
0xa3: {  	[sflag:s23] =	ssyncset.done $0x0  }
0xa4: {  	s25 =	simm.s32 $0x1B8E;
	s24 =	sld [smem:$0x3FFE];
	[sflag:s23] =	ssyncadd.s32 $0xFFFFFFFF  }
0xa5: {  	s26 =	simm.s32 $execute0_lowered;
	[smem:$0x3FD2] =	sst s25  }
0xa6: {  	s5 =	sshll.u32 s26, $0x1;
	_ =	strace $0x80000046;
	[dreg:$0x1] =	wrdreg $0xFFFFFFFF  }
0xa7: {  	s28 =	simm.s32 $_size_execute0_lowered;
	s3 =	sadd.s32 s3, s5;
	[dreg:$0x0] =	wrdreg $0x0  }
0xa8: {  	s5 =	sshll.u32 s28, $0x1;
	[dreg:$0x2] =	wrdreg s3  }
0xa9: {  	[dreg:$0x3] =	wrdreg s5  }
0xaa: {  	[dreg:$0x4] =	wrdreg $0xC0  }
0xab: {  	_ =	task [dreg:s7], $0x5FFFF  }
0xac: {  	[dreg:$0x1] =	wrdreg $0xFFFFFFFF  }
0xad: {  	[dreg:$0x0] =	wrdreg $0x60  }
0xae: {  	[dreg:$0x2] =	wrdreg s2  }
0xaf: {  	[dreg:$0x3] =	wrdreg s24  }
0xb0: {  	[dreg:$0x4] =	wrdreg $0x62800  }
0xb1: {  	[dreg:$0x5] =	wrdreg $0xA  }
0xb2: {  	_ =	task.clear_ibuf [dreg:s7], $0x6FFFF;
	_ =	strace $0x90000046  }
0xb3: {  	s29 =	simm.s32 $0xA;
	_ =	strace $0x80000048  }
0xb4: {  	_ =	swait.ge [sflag:s29], $0x1  }
0xb5: {  	[sflag:s29] =	ssyncadd.s32 $0xFFFFFFFF  }
0xb6: {  	_ =	strace $0x90000048  }
0xb7: {  	_ =	sfence  }
0xb8: {  	s30 =	sld [smem:$0x0];
	_ =	sdelay $0x2  }
0xb9: {  	s31 =	sshll.u32 s1, $0xD;
	s1 =	sshrl.u32 s1, $0x2  }
0xba: {  	s3 =	sand.u32 $0x4000, s31;
	s1 =	sadd.s32 s1, s30  }
0xbb: {  	s0 =	sor.u32 s3, s0;
	s1 =	sshll.u32 s1, $0x11  }
0xbc: {  	s0 =	sor.u32 s1, s0  }
0xbd: {  	s0 =	sadd.s32 $0x8F2B, s0  }
0xbe: {  	[sflag:s0] =	ssyncadd.remote.s32 $0x1  }
0xbf: {  	_ =	sfence.sel $0xFFFF  }
0xc0: {  	[dreg:$0x0] =	wrdreg $0xFFFFFFFF;
	(pc) =	sbr.abs _section_cstart, $3  }
0xc1: {  	[dreg:$0x1] =	wrdreg $0xFFFFFFFF  }
0xc2: {  	_ =	task.clear_ibuf [dreg:s7], $0x2FFFF;
	_ =	strace $0x9FFFFFFF  }
0xc3: {  	(tm) =	ssettm $0x7FFFFFFF  }
tec
execute0_lowered:
.L_overlay_start_1:
0x0: {  	(tag) =	ssettag $0x1  }
0x1: {  	s4 =	rddreg [dreg:$0x0]  }
0x2: {  	s0 =	rddreg [dreg:$0x1]  }
0x3: {  	s1 =	rddreg [dreg:$0x2];
	s3 =	simm.s32 $0x0;
	s2 =	srdreg.scid  }
0x4: {  	s17 =	stileid.u32;
	[smem:$0x7FF] =	sst s3;
	s8 =	sand.u32 $0x1, s2  }
0x5: {  	s12 =	sshll.u32 s17, $0x1;
	s9 =	smul.u32 $0x14000, s17;
	s6 =	sadd.s32 $0x15400, s0  }
0x6: {  	s7 =	smul.u32 $0x140000, s8;
	s5 =	ssub.s32 $0x2, s8;
	s2 =	sor.u32 s8, s12  }
0x7: {  	_ =	strace $0x80000047;
	s10 =	sshrl.u32 s5, $0x1;
	s11 =	smul.u32 $0x2800, s2  }
0x8: {  	s8 =	smul.u32 $0x2800, s8;
	s2 =	ssub.s32 s5, s10;
	s13 =	sadd.s32 s9, s7  }
0x9: {  	s5 =	sor.u32 $0x2000, s9;
	s11 =	sshrl.u32 s11, $0x3;
	s10 =	sshrl.u32 s13, $0x3  }
0xa: {  	s12 =	sadd.s32 s7, s5;
	s5 =	sadd.s32 s5, s1;
	s18 =	sadd.s32 s4, s11  }
0xb: {  	s10 =	sadd.s32 s6, s10;
	s14 =	sshrl.u32 s12, $0x3;
	[dreg:$0x16] =	wrdreg s5  }
0xc: {  	s11 =	sadd.s32 $0x6000, s9;
	[dreg:$0xa] =	wrdreg s10;
	s10 =	sadd.s32 s6, s14  }
0xd: {  	s13 =	sadd.s32 s7, s11;
	s14 =	smul.u32 $0x5000, s17;
	[dreg:$0x9] =	wrdreg s18  }
0xe: {  	[dreg:$0xb] =	wrdreg s10;
	s10 =	sadd.s32 $0x4000, s9;
	s13 =	sshrl.u32 s13, $0x3  }
0xf: {  	s15 =	sadd.s32 s7, s10;
	s16 =	sadd.s32 s6, s13;
	s8 =	sadd.s32 s8, s14  }
0x10: {  	s12 =	sshrl.u32 s15, $0x3;
	[dreg:$0xd] =	wrdreg s16;
	s15 =	sadd.s32 $0xA000, s9  }
0x11: {  	s16 =	sor.u32 $0x180, s8;
	s24 =	sor.u32 $0x140, s8;
	s26 =	sor.u32 $0x100, s8  }
0x12: {  	s12 =	sadd.s32 s6, s12;
	s20 =	sadd.s32 s7, s15;
	s22 =	sshrl.u32 s16, $0x3  }
0x13: {  	s25 =	sshrl.u32 s24, $0x3;
	s16 =	sadd.s32 $0xC000, s9;
	s14 =	sshrl.u32 s26, $0x3  }
0x14: {  	s24 =	sadd.s32 $0x10000, s9;
	s26 =	sadd.s32 $0x15000, s0;
	s0 =	sadd.s32 $0x14C00, s0  }
0x15: {  	[dreg:$0xc] =	wrdreg s12;
	s12 =	sadd.s32 $0x8000, s9;
	s21 =	sshrl.u32 s20, $0x3  }
0x16: {  	s23 =	sadd.s32 s22, s4;
	s20 =	sor.u32 $0xC0, s8;
	[dreg:$0x14] =	wrdreg s26  }
0x17: {  	s8 =	sor.u32 $0x80, s8;
	s22 =	sadd.s32 $0xE000, s9;
	[dreg:$0x15] =	wrdreg s0  }
0x18: {  	s9 =	sadd.s32 $0x12000, s9;
	s19 =	sadd.s32 s7, s12;
	[dreg:$0x4] =	wrdreg s23  }
0x19: {  	s8 =	sshrl.u32 s8, $0x3;
	s13 =	sshrl.u32 s19, $0x3;
	s19 =	sadd.s32 s14, s4  }
0x1a: {  	s14 =	sshrl.u32 s20, $0x3;
	s13 =	sadd.s32 s6, s13;
	[dreg:$0x6] =	wrdreg s19  }
0x1b: {  	s23 =	sadd.s32 s7, s22;
	s14 =	sadd.s32 s14, s4;
	[dreg:$0xe] =	wrdreg s13  }
0x1c: {  	s13 =	sadd.s32 s6, s21;
	s21 =	sadd.s32 s7, s16;
	[dreg:$0x7] =	wrdreg s14  }
0x1d: {  	s14 =	sadd.s32 s9, s1;
	[dreg:$0xf] =	wrdreg s13;
	s13 =	sadd.s32 s25, s4  }
0x1e: {  	s4 =	sadd.s32 s8, s4;
	s8 =	sshrl.u32 s23, $0x3;
	[dreg:$0x1e] =	wrdreg s14  }
0x1f: {  	s25 =	sadd.s32 s7, s24;
	s7 =	sadd.s32 s7, s9;
	[dreg:$0x5] =	wrdreg s13  }
0x20: {  	s13 =	sshrl.u32 s21, $0x3;
	s8 =	sadd.s32 s6, s8;
	[dreg:$0x8] =	wrdreg s4  }
0x21: {  	s13 =	sadd.s32 s6, s13;
	[dreg:$0x11] =	wrdreg s8;
	s8 =	sshrl.u32 s25, $0x3  }
0x22: {  	s7 =	sshrl.u32 s7, $0x3;
	[dreg:$0x10] =	wrdreg s13;
	s8 =	sadd.s32 s6, s8  }
0x23: {  	s6 =	sadd.s32 s6, s7;
	[dreg:$0x12] =	wrdreg s8  }
0x24: {  	s17 =	smul.u32 $0x50000, s17;
	s7 =	sadd.s32 s11, s1;
	[dreg:$0x13] =	wrdreg s6  }
0x25: {  	s28 =	simm.s32 $0x7;
	s11 =	sadd.s32 s16, s1;
	[dreg:$0x18] =	wrdreg s7  }
0x26: {  	s4 =	sshrl.u32 s17, $0x2;
	s13 =	sadd.s32 s24, s1;
	[dreg:$0x1b] =	wrdreg s11  }
0x27: {  	s17 =	sadd.s32 s4, s1;
	s16 =	sadd.s32 $0x8, s18;
	[dreg:$0x1d] =	wrdreg s13  }
0x28: {  	s29 =	simm.s32 $0xB;
	s18 =	sadd.s32 $0x2000, s17;
	[smem:$0x7F4] =	sst s16  }
0x29: {  	s30 =	simm.s32 $0xC;
	s19 =	sadd.s32 $0x4000, s17;
	[smem:$0x7F5] =	sst s18  }
0x2a: {  	s31 =	simm.s32 $0x0;
	s20 =	sadd.s32 $0x6000, s17;
	[smem:$0x7F6] =	sst s19  }
0x2b: {  	s9 =	simm.s32 $0x280;
	s21 =	sadd.s32 $0x8000, s17;
	[smem:$0x7F7] =	sst s20  }
0x2c: {  	s14 =	simm.s32 $0x1;
	s23 =	sadd.s32 $0xC000, s17;
	[smem:$0x7F8] =	sst s21  }
0x2d: {  	s24 =	sadd.s32 $0xE000, s17;
	s25 =	sadd.s32 $0x10000, s17;
	[smem:$0x7FA] =	sst s23  }
0x2e: {  	s26 =	sadd.s32 $0x12000, s17;
	s6 =	sadd.s32 s10, s1;
	[smem:$0x7FB] =	sst s24  }
0x2f: {  	s8 =	sadd.s32 s12, s1;
	s10 =	sadd.s32 s15, s1;
	[smem:$0x7FC] =	sst s25  }
0x30: {  	s12 =	sadd.s32 s22, s1;
	s15 =	smax.u32 s2, $0x1;
	[smem:$0x7FD] =	sst s26  }
0x31: {  	s22 =	sadd.s32 $0xA000, s17;
	s11 =	simm.s32 $0x2280;
	[dreg:$0x17] =	wrdreg s6  }
0x32: {  	s13 =	simm.s32 $0x100;
	s16 =	simm.s32 $0x180;
	[dreg:$0x19] =	wrdreg s8  }
0x33: {  	s18 =	simm.s32 $0x2;
	s19 =	simm.s32 $0x200;
	[dreg:$0x1a] =	wrdreg s10  }
0x34: {  	s20 =	simm.s32 $0x3;
	s21 =	simm.s32 $0x6;
	[dreg:$0x1c] =	wrdreg s12  }
0x35: {  	s24 =	simm.s32 $0x9;
	s25 =	simm.s32 $0xA;
	[dreg:$0x1f] =	wrdreg s15  }
0x36: {  	s26 =	simm.s32 $0x4280;
	[smem:$0x7F9] =	sst s22;
	s10 =	simm.s32 $0xD  }
0x37: {  	s12 =	simm.s32 $0x80;
	s15 =	simm.s32 $0x40;
	s22 =	simm.s32 $0x5  }
.LBB2_1:
0x38: {  	s0 =	rddreg [dreg:$0x15]  }
0x39: {  	[tilespmem:s9], [sflag:$0xD] =	stream.linear.gather [hbm4b:s0+s3], $0x2000, $0x38;
	[tilespmem:$0x1A280] =	vst v63  }
0x3a: {  	_ =	swait.ge [sflag:s10], $0x2000  }
0x3b: {  	[sflag:s10] =	ssyncset.done $0x0  }
0x3c: {  	s7 =	rddreg [dreg:$0x14];
	[sflag:s10] =	ssyncadd.s32 $0xFFFFE000  }
0x3d: {  	[tilespmem:s11], [sflag:$0xD] =	stream.linear.gather [hbm4b:s7+s3], $0x2000, $0x38;
	[tilespmem:$0x1A280] =	vst v63  }
0x3e: {  	_ =	swait.ge [sflag:s10], $0x2000  }
0x3f: {  	[sflag:s10] =	ssyncset.done $0x0  }
0x40: {  	[sflag:s10] =	ssyncadd.s32 $0xFFFFE000  }
0x41: {  	[spmem:s17] =	stream.linear.scatter [tilespmem:s11], [sflag:$0xD], $0x2000, $0x38;
	[tilespmem:$0x1A280] =	vst v63  }
0x42: {  	_ =	swait.ge [sflag:s10], $0x2000  }
0x43: {  	s8 =	sld [smem:$0x7F5]  }
0x44: {  	[sflag:s10] =	ssyncset.done $0x0  }
0x45: {  	[sflag:s10] =	ssyncadd.s32 $0xFFFFE000  }
0x46: {  	[spmem:s8] =	stream.linear.scatter [tilespmem:s11], [sflag:$0xD], $0x2000, $0x38;
	[tilespmem:$0x1A280] =	vst v63  }
0x47: {  	_ =	swait.ge [sflag:s10], $0x2000  }
0x48: {  	s23 =	sld [smem:$0x7F6]  }
0x49: {  	[sflag:s10] =	ssyncset.done $0x0  }
0x4a: {  	[sflag:s10] =	ssyncadd.s32 $0xFFFFE000  }
0x4b: {  	[spmem:s23] =	stream.linear.scatter [tilespmem:s11], [sflag:$0xD], $0x2000, $0x38;
	[tilespmem:$0x1A280] =	vst v63  }
0x4c: {  	_ =	swait.ge [sflag:s10], $0x2000  }
0x4d: {  	s2 =	sld [smem:$0x7F7]  }
0x4e: {  	[sflag:s10] =	ssyncset.done $0x0  }
0x4f: {  	[sflag:s10] =	ssyncadd.s32 $0xFFFFE000  }
0x50: {  	[spmem:s2] =	stream.linear.scatter [tilespmem:s11], [sflag:$0xD], $0x2000, $0x38;
	[tilespmem:$0x1A280] =	vst v63  }
0x51: {  	_ =	swait.ge [sflag:s10], $0x2000  }
0x52: {  	s4 =	sld [smem:$0x7F8]  }
0x53: {  	[sflag:s10] =	ssyncset.done $0x0  }
0x54: {  	[sflag:s10] =	ssyncadd.s32 $0xFFFFE000  }
0x55: {  	[spmem:s4] =	stream.linear.scatter [tilespmem:s11], [sflag:$0xD], $0x2000, $0x38;
	[tilespmem:$0x1A280] =	vst v63  }
0x56: {  	_ =	swait.ge [sflag:s10], $0x2000  }
0x57: {  	s5 =	sld [smem:$0x7F9]  }
0x58: {  	[sflag:s10] =	ssyncset.done $0x0  }
0x59: {  	[sflag:s10] =	ssyncadd.s32 $0xFFFFE000  }
0x5a: {  	[spmem:s5] =	stream.linear.scatter [tilespmem:s11], [sflag:$0xD], $0x2000, $0x38;
	[tilespmem:$0x1A280] =	vst v63  }
0x5b: {  	_ =	swait.ge [sflag:s10], $0x2000  }
0x5c: {  	s6 =	sld [smem:$0x7FA]  }
0x5d: {  	[sflag:s10] =	ssyncset.done $0x0  }
0x5e: {  	[sflag:s10] =	ssyncadd.s32 $0xFFFFE000  }
0x5f: {  	[spmem:s6] =	stream.linear.scatter [tilespmem:s11], [sflag:$0xD], $0x2000, $0x38;
	[tilespmem:$0x1A280] =	vst v63  }
0x60: {  	_ =	swait.ge [sflag:s10], $0x2000  }
0x61: {  	s7 =	sld [smem:$0x7FB]  }
0x62: {  	[sflag:s10] =	ssyncset.done $0x0  }
0x63: {  	[sflag:s10] =	ssyncadd.s32 $0xFFFFE000  }
0x64: {  	[spmem:s7] =	stream.linear.scatter [tilespmem:s11], [sflag:$0xD], $0x2000, $0x38;
	[tilespmem:$0x1A280] =	vst v63  }
0x65: {  	_ =	swait.ge [sflag:s10], $0x2000  }
0x66: {  	s8 =	sld [smem:$0x7FC]  }
0x67: {  	[sflag:s10] =	ssyncset.done $0x0  }
0x68: {  	[sflag:s10] =	ssyncadd.s32 $0xFFFFE000  }
0x69: {  	[spmem:s8] =	stream.linear.scatter [tilespmem:s11], [sflag:$0xD], $0x2000, $0x38;
	[tilespmem:$0x1A280] =	vst v63  }
0x6a: {  	_ =	swait.ge [sflag:s10], $0x2000  }
0x6b: {  	s23 =	sld [smem:$0x7FD]  }
0x6c: {  	[sflag:s10] =	ssyncset.done $0x0  }
0x6d: {  	[sflag:s10] =	ssyncadd.s32 $0xFFFFE000  }
0x6e: {  	[spmem:s23] =	stream.linear.scatter [tilespmem:s11], [sflag:$0xD], $0x2000, $0x38;
	[tilespmem:$0x1A280] =	vst v63  }
0x6f: {  	_ =	swait.ge [sflag:s10], $0x2000  }
0x70: {  	[sflag:s10] =	ssyncset.done $0x0  }
0x71: {  	[sflag:s10] =	ssyncadd.s32 $0xFFFFE000  }
0x72: {  	[bflag:$0x0] =	sbarrier.arrive $0xFFFF  }
0x73: {  	s2 =	rddreg [dreg:$0x9]  }
0x74: {  	p0 =	por $0x1, $0x1;
	s4 =	sld [smem:$0x7F4]  }
0x75: {  	[tilespmem:s3], [sflag:$0x1] =	stream.linear.gather [hbm4b:s2+s3], $0x40, $0x38;
	[tilespmem:$0x1A280] =	vst v63  }
0x76: {  	s0 =	simm.s32 @!p0 $0x8  }
0x77: {  	[tilespmem:s12], [sflag:$0x2] =	stream.linear.gather [hbm4b:s4+s3], $0x40, $0x38;
	[tilespmem:$0x1A280] =	vst v63  }
0x78: {  	_ =	swait.ge @!p0 [sflag:s0], $0x2000  }
0x79: {  	s2 =	rddreg [dreg:$0x8];
	[sflag:s0] =	ssyncset.done @!p0 $0x0  }
0x7a: {  	[sflag:s0] =	ssyncadd.s32 @!p0 $0xFFFFE000;
	s5 =	sadd.s32 $0x0, s2  }
0x7b: {  	[tilespmem:s13], [sflag:$0x3] =	stream.linear.gather [hbm4b:s5+s3], $0x40, $0x38;
	[tilespmem:$0x1A280] =	vst v63  }
0x7c: {  	_ =	swait.ge [sflag:s14], $0x40  }
0x7d: {  	[sflag:s14] =	ssyncset.done $0x0  }
0x7e: {  	s0 =	simm.s32 @!p0 $0x9;
	[sflag:s14] =	ssyncadd.s32 $0xFFFFFFC0  }
0x7f: {  	[spmem:s1] =	stream.indirect.scatter.add.f32 [tilespmem:s9], [sflag:$0x6], $0x80, s3, s15, $0xb8;
	[tilespmem:$0x1A280] =	vst v63  }
0x80: {  	_ =	swait.ge @!p0 [sflag:s0], $0x2000  }
0x81: {  	s6 =	rddreg [dreg:$0x7];
	[sflag:s0] =	ssyncset.done @!p0 $0x0  }
0x82: {  	[sflag:s0] =	ssyncadd.s32 @!p0 $0xFFFFE000;
	s7 =	sadd.s32 $0x0, s6  }
0x83: {  	[tilespmem:s16], [sflag:$0x4] =	stream.linear.gather [hbm4b:s7+s3], $0x40, $0x38;
	[tilespmem:$0x1A280] =	vst v63  }
0x84: {  	_ =	swait.ge [sflag:s18], $0x40  }
0x85: {  	[sflag:s18] =	ssyncset.done $0x0  }
0x86: {  	s0 =	simm.s32 @!p0 $0xA;
	[sflag:s18] =	ssyncadd.s32 $0xFFFFFFC0  }
0x87: {  	[spmem:s1] =	stream.indirect.scatter.add.f32 [tilespmem:s9], [sflag:$0x7], $0x80, s12, s15, $0xb8;
	[tilespmem:$0x1A280] =	vst v63  }
0x88: {  	_ =	swait.ge @!p0 [sflag:s0], $0x2000  }
0x89: {  	s8 =	rddreg [dreg:$0x6];
	[sflag:s0] =	ssyncset.done @!p0 $0x0  }
0x8a: {  	[sflag:s0] =	ssyncadd.s32 @!p0 $0xFFFFE000;
	s23 =	sadd.s32 $0x0, s8  }
0x8b: {  	[tilespmem:s19], [sflag:$0x5] =	stream.linear.gather [hbm4b:s23+s3], $0x40, $0x38;
	[tilespmem:$0x1A280] =	vst v63  }
0x8c: {  	_ =	swait.ge [sflag:s20], $0x40  }
0x8d: {  	[sflag:s20] =	ssyncset.done $0x0  }
0x8e: {  	[sflag:s20] =	ssyncadd.s32 $0xFFFFFFC0  }
0x8f: {  	[spmem:s1] =	stream.indirect.scatter.add.f32 [tilespmem:s9], [sflag:$0x8], $0x80, s13, s15, $0xb8;
	[tilespmem:$0x1A280] =	vst v63  }
0x90: {  	_ =	swait.ge [sflag:s21], $0x2000  }
0x91: {  	p0 =	por $0x0, $0x0;
	[sflag:s21] =	ssyncset.done $0x0  }
0x92: {  	s0 =	simm.s32 @p0 $0x4;
	[sflag:s21] =	ssyncadd.s32 $0xFFFFE000  }
0x93: {  	_ =	swait.ge @p0 [sflag:s0], $0x40  }
0x94: {  	s2 =	simm.s32 @p0 $0x280;
	s5 =	simm.s32 @p0 $0x7;
	[sflag:s0] =	ssyncset.done @p0 $0x0  }
0x95: {  	s6 =	simm.s32 @p0 $0x180;
	[sflag:s0] =	ssyncadd.s32 @p0 $0xFFFFFFC0;
	s0 =	simm.s32 @p0 $0x40  }
0x96: {  	[spmem:s1] =	stream.indirect.scatter.add.f32 @p0 [tilespmem:s2], [sflag:$0x9], $0x80, s6, s0, $0xb8;
	[tilespmem:$0x1A280] =	vst v63  }
0x97: {  	_ =	swait.ge @p0 [sflag:s5], $0x2000  }
0x98: {  	s2 =	simm.s32 @!p0 $0x4;
	s0 =	rddreg [dreg:$0x5];
	[sflag:s5] =	ssyncset.done @p0 $0x0  }
0x99: {  	[sflag:s5] =	ssyncadd.s32 @p0 $0xFFFFE000;
	s0 =	sadd.s32 @!p0 $0x0, s0;
	s5 =	simm.s32 @!p0 $0x0  }
0x9a: {  	[tilespmem:s5], [sflag:$0x1] =	stream.linear.gather @!p0 [hbm4b:s0+s5], $0x40, $0x38;
	[tilespmem:$0x1A280] =	vst v63  }
0x9b: {  	_ =	swait.ge @!p0 [sflag:s2], $0x40  }
0x9c: {  	s6 =	simm.s32 @!p0 $0x180;
	[sflag:s2] =	ssyncset.done @!p0 $0x0  }
0x9d: {  	s0 =	simm.s32 @!p0 $0x280;
	[sflag:s2] =	ssyncadd.s32 @!p0 $0xFFFFFFC0;
	s2 =	simm.s32 @!p0 $0x40  }
0x9e: {  	[spmem:s1] =	stream.indirect.scatter.add.f32 @!p0 [tilespmem:s0], [sflag:$0x9], $0x80, s6, s2, $0xb8;
	[tilespmem:$0x1A280] =	vst v63  }
0x9f: {  	s0 =	simm.s32 @!p0 $0x7  }
0xa0: {  	_ =	swait.ge @!p0 [sflag:s0], $0x2000  }
0xa1: {  	s2 =	rddreg [dreg:$0x4];
	[sflag:s0] =	ssyncset.done @!p0 $0x0  }
0xa2: {  	[sflag:s0] =	ssyncadd.s32 @!p0 $0xFFFFE000;
	s0 =	sadd.s32 @!p0 $0x0, s2;
	s2 =	simm.s32 @!p0 $0x80  }
0xa3: {  	[tilespmem:s2], [sflag:$0x2] =	stream.linear.gather @!p0 [hbm4b:s0+s5], $0x40, $0x38;
	[tilespmem:$0x1A280] =	vst v63  }
0xa4: {  	p1 =	por $0x0, $0x0;
	_ =	swait.ge [sflag:s22], $0x40  }
0xa5: {  	s0 =	simm.s32 $0x28;
	s2 =	simm.s32 $0x50;
	[sflag:s22] =	ssyncset.done $0x0  }
.LBB2_2:
0xa6: {  	s6 =	simm.s32 @!p1 $0x8;
	[sflag:s22] =	ssyncadd.s32 $0xFFFFFFC0  }
0xa7: {  	[spmem:s1] =	stream.indirect.scatter.add.f32 [tilespmem:s9], [sflag:$0xA], $0x80, s19, s15, $0xb8;
	[tilespmem:$0x1A280] =	vst v63  }
0xa8: {  	_ =	swait.ge @!p1 [sflag:s6], $0x2000  }
0xa9: {  	[sflag:s6] =	ssyncset.done @!p1 $0x0;
	s7 =	rddreg [dreg:$0x8]  }
0xaa: {  	[sflag:s6] =	ssyncadd.s32 @!p1 $0xFFFFE000;
	s23 =	sadd.s32 s0, s7  }
0xab: {  	[tilespmem:s13], [sflag:$0x3] =	stream.linear.gather [hbm4b:s23+s3], $0x40, $0x38;
	[tilespmem:$0x1A280] =	vst v63  }
0xac: {  	_ =	swait.ge [sflag:s14], $0x40  }
0xad: {  	[sflag:s14] =	ssyncset.done $0x0  }
0xae: {  	s6 =	simm.s32 @!p1 $0x9;
	[sflag:s14] =	ssyncadd.s32 $0xFFFFFFC0  }
0xaf: {  	[spmem:s1] =	stream.indirect.scatter.add.f32 [tilespmem:s9], [sflag:$0x6], $0x80, s3, s15, $0xb8;
	[tilespmem:$0x1A280] =	vst v63  }
0xb0: {  	_ =	swait.ge @!p1 [sflag:s6], $0x2000  }
0xb1: {  	[sflag:s6] =	ssyncset.done @!p1 $0x0;
	s4 =	rddreg [dreg:$0x7]  }
0xb2: {  	[sflag:s6] =	ssyncadd.s32 @!p1 $0xFFFFE000;
	s7 =	sadd.s32 s0, s4  }
0xb3: {  	[tilespmem:s16], [sflag:$0x4] =	stream.linear.gather [hbm4b:s7+s3], $0x40, $0x38;
	[tilespmem:$0x1A280] =	vst v63  }
0xb4: {  	_ =	swait.ge [sflag:s18], $0x40  }
0xb5: {  	[sflag:s18] =	ssyncset.done $0x0  }
0xb6: {  	s6 =	simm.s32 @!p1 $0xA;
	[sflag:s18] =	ssyncadd.s32 $0xFFFFFFC0  }
0xb7: {  	[spmem:s1] =	stream.indirect.scatter.add.f32 [tilespmem:s9], [sflag:$0x7], $0x80, s12, s15, $0xb8;
	[tilespmem:$0x1A280] =	vst v63  }
0xb8: {  	_ =	swait.ge @!p1 [sflag:s6], $0x2000  }
0xb9: {  	[sflag:s6] =	ssyncset.done @!p1 $0x0;
	s8 =	rddreg [dreg:$0x6]  }
0xba: {  	[sflag:s6] =	ssyncadd.s32 @!p1 $0xFFFFE000;
	s23 =	sadd.s32 s0, s8  }
0xbb: {  	[tilespmem:s19], [sflag:$0x5] =	stream.linear.gather [hbm4b:s23+s3], $0x40, $0x38;
	[tilespmem:$0x1A280] =	vst v63  }
0xbc: {  	_ =	swait.ge [sflag:s20], $0x40  }
0xbd: {  	[sflag:s20] =	ssyncset.done $0x0  }
0xbe: {  	[sflag:s20] =	ssyncadd.s32 $0xFFFFFFC0  }
0xbf: {  	[spmem:s1] =	stream.indirect.scatter.add.f32 [tilespmem:s9], [sflag:$0x8], $0x80, s13, s15, $0xb8;
	[tilespmem:$0x1A280] =	vst v63  }
0xc0: {  	_ =	swait.ge [sflag:s21], $0x2000  }
0xc1: {  	p1 =	seq.s32 s0, $0x4D8;
	[sflag:s21] =	ssyncset.done $0x0  }
0xc2: {  	s6 =	simm.s32 @p1 $0x4;
	[sflag:s21] =	ssyncadd.s32 $0xFFFFE000  }
0xc3: {  	_ =	swait.ge @p1 [sflag:s6], $0x40  }
0xc4: {  	s7 =	simm.s32 @p1 $0x280;
	s8 =	simm.s32 @p1 $0x7;
	[sflag:s6] =	ssyncset.done @p1 $0x0  }
0xc5: {  	s4 =	simm.s32 @p1 $0x180;
	[sflag:s6] =	ssyncadd.s32 @p1 $0xFFFFFFC0;
	s6 =	simm.s32 @p1 $0x40  }
0xc6: {  	[spmem:s1] =	stream.indirect.scatter.add.f32 @p1 [tilespmem:s7], [sflag:$0x9], $0x80, s4, s6, $0xb8;
	[tilespmem:$0x1A280] =	vst v63  }
0xc7: {  	_ =	swait.ge @p1 [sflag:s8], $0x2000  }
0xc8: {  	s6 =	simm.s32 @!p1 $0x4;
	s4 =	rddreg [dreg:$0x5];
	[sflag:s8] =	ssyncset.done @p1 $0x0  }
0xc9: {  	s7 =	simm.s32 @!p1 $0x0;
	[sflag:s8] =	ssyncadd.s32 @p1 $0xFFFFE000;
	s4 =	sadd.s32 @!p1 s0, s4  }
0xca: {  	[tilespmem:s7], [sflag:$0x1] =	stream.linear.gather @!p1 [hbm4b:s4+s7], $0x40, $0x38;
	[tilespmem:$0x1A280] =	vst v63  }
0xcb: {  	s5 =	smov.u32 s2;
	s2 =	sadd.s32 $0x28, s2;
	_ =	swait.ge @!p1 [sflag:s6], $0x40  }
0xcc: {  	s23 =	simm.s32 @!p1 $0x180;
	s8 =	simm.s32 @!p1 $0x7;
	[sflag:s6] =	ssyncset.done @!p1 $0x0  }
0xcd: {  	s4 =	simm.s32 @!p1 $0x280;
	[sflag:s6] =	ssyncadd.s32 @!p1 $0xFFFFFFC0;
	s6 =	simm.s32 @!p1 $0x40  }
0xce: {  	[spmem:s1] =	stream.indirect.scatter.add.f32 @!p1 [tilespmem:s4], [sflag:$0x9], $0x80, s23, s6, $0xb8;
	[tilespmem:$0x1A280] =	vst v63  }
0xcf: {  	p0 =	sne.s32 s2, $0x500;
	_ =	swait.ge @!p1 [sflag:s8], $0x2000  }
.Ltmp0:
0xd0: {  	s4 =	rddreg [dreg:$0x4];
	[sflag:s8] =	ssyncset.done @!p1 $0x0;
	(pc) =	sbr.rel @p0 .LBB2_2-.Ltmp0, $4  }
0xd1: {  	[sflag:s8] =	ssyncadd.s32 @!p1 $0xFFFFE000;
	s0 =	sadd.s32 @!p1 s0, s4;
	s4 =	simm.s32 @!p1 $0x80  }
0xd2: {  	[tilespmem:s4], [sflag:$0x2] =	stream.linear.gather @!p1 [hbm4b:s0+s7], $0x40, $0x38;
	[tilespmem:$0x1A280] =	vst v63  }
0xd3: {  	s0 =	smov.u32 s5;
	_ =	swait.ge [sflag:s22], $0x40  }
0xd4: {  	p1 =	seq.s32 s0, $0x0;
	[sflag:s22] =	ssyncset.done $0x0  }
0xd5: {  	s2 =	simm.s32 @!p1 $0x8;
	[sflag:s22] =	ssyncadd.s32 $0xFFFFFFC0  }
0xd6: {  	[spmem:s1] =	stream.indirect.scatter.add.f32 [tilespmem:s9], [sflag:$0xA], $0x80, s19, s15, $0xb8;
	[tilespmem:$0x1A280] =	vst v63  }
0xd7: {  	_ =	swait.ge @!p1 [sflag:s2], $0x2000  }
0xd8: {  	s4 =	rddreg [dreg:$0x8];
	[sflag:s2] =	ssyncset.done @!p1 $0x0  }
0xd9: {  	[sflag:s2] =	ssyncadd.s32 @!p1 $0xFFFFE000;
	s5 =	sadd.s32 s0, s4  }
0xda: {  	[tilespmem:s13], [sflag:$0x3] =	stream.linear.gather [hbm4b:s5+s3], $0x40, $0x38;
	[tilespmem:$0x1A280] =	vst v63  }
0xdb: {  	_ =	swait.ge [sflag:s14], $0x40  }
0xdc: {  	[sflag:s14] =	ssyncset.done $0x0  }
0xdd: {  	s2 =	simm.s32 @!p1 $0x9;
	[sflag:s14] =	ssyncadd.s32 $0xFFFFFFC0  }
0xde: {  	[spmem:s1] =	stream.indirect.scatter.add.f32 [tilespmem:s9], [sflag:$0x6], $0x80, s3, s15, $0xb8;
	[tilespmem:$0x1A280] =	vst v63  }
0xdf: {  	_ =	swait.ge @!p1 [sflag:s2], $0x2000  }
0xe0: {  	s6 =	rddreg [dreg:$0x7];
	[sflag:s2] =	ssyncset.done @!p1 $0x0  }
0xe1: {  	[sflag:s2] =	ssyncadd.s32 @!p1 $0xFFFFE000;
	s7 =	sadd.s32 s0, s6  }
0xe2: {  	[tilespmem:s16], [sflag:$0x4] =	stream.linear.gather [hbm4b:s7+s3], $0x40, $0x38;
	[tilespmem:$0x1A280] =	vst v63  }
0xe3: {  	_ =	swait.ge [sflag:s18], $0x40  }
0xe4: {  	[sflag:s18] =	ssyncset.done $0x0  }
0xe5: {  	s2 =	simm.s32 @!p1 $0xA;
	[sflag:s18] =	ssyncadd.s32 $0xFFFFFFC0  }
0xe6: {  	[spmem:s1] =	stream.indirect.scatter.add.f32 [tilespmem:s9], [sflag:$0x7], $0x80, s12, s15, $0xb8;
	[tilespmem:$0x1A280] =	vst v63  }
0xe7: {  	_ =	swait.ge @!p1 [sflag:s2], $0x2000  }
0xe8: {  	s8 =	rddreg [dreg:$0x6];
	[sflag:s2] =	ssyncset.done @!p1 $0x0  }
0xe9: {  	[sflag:s2] =	ssyncadd.s32 @!p1 $0xFFFFE000;
	s23 =	sadd.s32 s0, s8  }
0xea: {  	[tilespmem:s19], [sflag:$0x5] =	stream.linear.gather [hbm4b:s23+s3], $0x40, $0x38;
	[tilespmem:$0x1A280] =	vst v63  }
0xeb: {  	_ =	swait.ge [sflag:s20], $0x40  }
0xec: {  	[sflag:s20] =	ssyncset.done $0x0  }
0xed: {  	[sflag:s20] =	ssyncadd.s32 $0xFFFFFFC0  }
0xee: {  	[spmem:s1] =	stream.indirect.scatter.add.f32 [tilespmem:s9], [sflag:$0x8], $0x80, s13, s15, $0xb8;
	[tilespmem:$0x1A280] =	vst v63  }
0xef: {  	_ =	swait.ge [sflag:s21], $0x2000  }
0xf0: {  	p0 =	seq.s32 s0, $0x4D8;
	[sflag:s21] =	ssyncset.done $0x0  }
0xf1: {  	s2 =	simm.s32 @p0 $0x4;
	[sflag:s21] =	ssyncadd.s32 $0xFFFFE000  }
0xf2: {  	_ =	swait.ge @p0 [sflag:s2], $0x40  }
0xf3: {  	s4 =	simm.s32 @p0 $0x280;
	s5 =	simm.s32 @p0 $0x7;
	[sflag:s2] =	ssyncset.done @p0 $0x0  }
0xf4: {  	s6 =	simm.s32 @p0 $0x180;
	[sflag:s2] =	ssyncadd.s32 @p0 $0xFFFFFFC0;
	s2 =	simm.s32 @p0 $0x40  }
0xf5: {  	[spmem:s1] =	stream.indirect.scatter.add.f32 @p0 [tilespmem:s4], [sflag:$0x9], $0x80, s6, s2, $0xb8;
	[tilespmem:$0x1A280] =	vst v63  }
0xf6: {  	_ =	swait.ge @p0 [sflag:s5], $0x2000  }
0xf7: {  	s4 =	simm.s32 @!p0 $0x4;
	s2 =	rddreg [dreg:$0x5];
	[sflag:s5] =	ssyncset.done @p0 $0x0  }
0xf8: {  	[sflag:s5] =	ssyncadd.s32 @p0 $0xFFFFE000;
	s2 =	sadd.s32 @!p0 s0, s2;
	s5 =	simm.s32 @!p0 $0x0  }
0xf9: {  	[tilespmem:s5], [sflag:$0x1] =	stream.linear.gather @!p0 [hbm4b:s2+s5], $0x40, $0x38;
	[tilespmem:$0x1A280] =	vst v63  }
0xfa: {  	_ =	swait.ge @!p0 [sflag:s4], $0x40  }
0xfb: {  	s6 =	simm.s32 @!p0 $0x180;
	[sflag:s4] =	ssyncset.done @!p0 $0x0  }
0xfc: {  	s2 =	simm.s32 @!p0 $0x280;
	[sflag:s4] =	ssyncadd.s32 @!p0 $0xFFFFFFC0;
	s4 =	simm.s32 @!p0 $0x40  }
0xfd: {  	[spmem:s1] =	stream.indirect.scatter.add.f32 @!p0 [tilespmem:s2], [sflag:$0x9], $0x80, s6, s4, $0xb8;
	[tilespmem:$0x1A280] =	vst v63  }
0xfe: {  	s2 =	simm.s32 @!p0 $0x7  }
0xff: {  	_ =	swait.ge @!p0 [sflag:s2], $0x2000  }
0x100: {  	s4 =	rddreg [dreg:$0x4];
	[sflag:s2] =	ssyncset.done @!p0 $0x0  }
0x101: {  	[sflag:s2] =	ssyncadd.s32 @!p0 $0xFFFFE000;
	s0 =	sadd.s32 @!p0 s0, s4;
	s2 =	simm.s32 @!p0 $0x80  }
0x102: {  	[tilespmem:s2], [sflag:$0x2] =	stream.linear.gather @!p0 [hbm4b:s0+s5], $0x40, $0x38;
	[tilespmem:$0x1A280] =	vst v63  }
0x103: {  	_ =	swait.ge [sflag:s22], $0x40  }
0x104: {  	[sflag:s22] =	ssyncset.done $0x0  }
0x105: {  	s2 =	simm.s32 $0x8;
	[sflag:s22] =	ssyncadd.s32 $0xFFFFFFC0  }
0x106: {  	[spmem:s1] =	stream.indirect.scatter.add.f32 [tilespmem:s9], [sflag:$0xA], $0x80, s19, s15, $0xb8;
	[tilespmem:$0x1A280] =	vst v63  }
0x107: {  	_ =	swait.ge [sflag:s2], $0x2000  }
0x108: {  	[sflag:s2] =	ssyncset.done $0x0  }
0x109: {  	[sflag:s2] =	ssyncadd.s32 $0xFFFFE000  }
0x10a: {  	_ =	swait.ge [sflag:s24], $0x2000  }
0x10b: {  	[sflag:s24] =	ssyncset.done $0x0  }
0x10c: {  	[sflag:s24] =	ssyncadd.s32 $0xFFFFE000  }
0x10d: {  	_ =	swait.ge [sflag:s25], $0x2000  }
0x10e: {  	[sflag:s25] =	ssyncset.done $0x0  }
0x10f: {  	[sflag:s25] =	ssyncadd.s32 $0xFFFFE000  }
0x110: {  	[bflag:$0x0] =	sbarrier.arrive $0xFFFF  }
0x111: {  	[tilespmem:s11], [sflag:$0x6] =	stream.linear.gather [spmem:s17], $0x2000, $0x38;
	[tilespmem:$0x1A280] =	vst v63  }
0x112: {  	_ =	swait.ge [sflag:s21], $0x2000  }
0x113: {  	[sflag:s21] =	ssyncset.done $0x0  }
0x114: {  	s4 =	rddreg [dreg:$0xa];
	[sflag:s21] =	ssyncadd.s32 $0xFFFFE000  }
0x115: {  	[hbm4b:s4+s3] =	stream.linear.scatter [tilespmem:s11], [sflag:$0xB], $0x2000, $0x38;
	[tilespmem:$0x1A280] =	vst v63  }
0x116: {  	s5 =	rddreg [dreg:$0x16]  }
0x117: {  	[tilespmem:s26], [sflag:$0x7] =	stream.linear.gather [spmem:s5], $0x2000, $0x38;
	[tilespmem:$0x1A280] =	vst v63  }
0x118: {  	_ =	swait.ge [sflag:s28], $0x2000  }
0x119: {  	[sflag:s28] =	ssyncset.done $0x0  }
0x11a: {  	s6 =	rddreg [dreg:$0xb];
	[sflag:s28] =	ssyncadd.s32 $0xFFFFE000  }
0x11b: {  	[hbm4b:s6+s3] =	stream.linear.scatter [tilespmem:s26], [sflag:$0xC], $0x2000, $0x38;
	[tilespmem:$0x1A280] =	vst v63  }
0x11c: {  	_ =	swait.ge [sflag:s29], $0x2000  }
0x11d: {  	[sflag:s29] =	ssyncset.done $0x0  }
0x11e: {  	s7 =	rddreg [dreg:$0x17];
	[sflag:s29] =	ssyncadd.s32 $0xFFFFE000  }
0x11f: {  	[tilespmem:s11], [sflag:$0x6] =	stream.linear.gather [spmem:s7], $0x2000, $0x38;
	[tilespmem:$0x1A280] =	vst v63  }
0x120: {  	_ =	swait.ge [sflag:s21], $0x2000  }
0x121: {  	[sflag:s21] =	ssyncset.done $0x0  }
0x122: {  	s8 =	rddreg [dreg:$0xc];
	[sflag:s21] =	ssyncadd.s32 $0xFFFFE000  }
0x123: {  	[hbm4b:s8+s3] =	stream.linear.scatter [tilespmem:s11], [sflag:$0xB], $0x2000, $0x38;
	[tilespmem:$0x1A280] =	vst v63  }
0x124: {  	_ =	swait.ge [sflag:s30], $0x2000  }
0x125: {  	[sflag:s30] =	ssyncset.done $0x0  }
0x126: {  	s23 =	rddreg [dreg:$0x18];
	[sflag:s30] =	ssyncadd.s32 $0xFFFFE000  }
0x127: {  	[tilespmem:s26], [sflag:$0x7] =	stream.linear.gather [spmem:s23], $0x2000, $0x38;
	[tilespmem:$0x1A280] =	vst v63  }
0x128: {  	_ =	swait.ge [sflag:s28], $0x2000  }
0x129: {  	[sflag:s28] =	ssyncset.done $0x0  }
0x12a: {  	s2 =	rddreg [dreg:$0xd];
	[sflag:s28] =	ssyncadd.s32 $0xFFFFE000  }
0x12b: {  	[hbm4b:s2+s3] =	stream.linear.scatter [tilespmem:s26], [sflag:$0xC], $0x2000, $0x38;
	[tilespmem:$0x1A280] =	vst v63  }
0x12c: {  	_ =	swait.ge [sflag:s29], $0x2000  }
0x12d: {  	[sflag:s29] =	ssyncset.done $0x0  }
0x12e: {  	s4 =	rddreg [dreg:$0x19];
	[sflag:s29] =	ssyncadd.s32 $0xFFFFE000  }
0x12f: {  	[tilespmem:s11], [sflag:$0x6] =	stream.linear.gather [spmem:s4], $0x2000, $0x38;
	[tilespmem:$0x1A280] =	vst v63  }
0x130: {  	_ =	swait.ge [sflag:s21], $0x2000  }
0x131: {  	[sflag:s21] =	ssyncset.done $0x0  }
0x132: {  	s5 =	rddreg [dreg:$0xe];
	[sflag:s21] =	ssyncadd.s32 $0xFFFFE000  }
0x133: {  	[hbm4b:s5+s3] =	stream.linear.scatter [tilespmem:s11], [sflag:$0xB], $0x2000, $0x38;
	[tilespmem:$0x1A280] =	vst v63  }
0x134: {  	_ =	swait.ge [sflag:s30], $0x2000  }
0x135: {  	[sflag:s30] =	ssyncset.done $0x0  }
0x136: {  	s6 =	rddreg [dreg:$0x1a];
	[sflag:s30] =	ssyncadd.s32 $0xFFFFE000  }
0x137: {  	[tilespmem:s26], [sflag:$0x7] =	stream.linear.gather [spmem:s6], $0x2000, $0x38;
	[tilespmem:$0x1A280] =	vst v63  }
0x138: {  	_ =	swait.ge [sflag:s28], $0x2000  }
0x139: {  	[sflag:s28] =	ssyncset.done $0x0  }
0x13a: {  	s7 =	rddreg [dreg:$0xf];
	[sflag:s28] =	ssyncadd.s32 $0xFFFFE000  }
0x13b: {  	[hbm4b:s7+s3] =	stream.linear.scatter [tilespmem:s26], [sflag:$0xC], $0x2000, $0x38;
	[tilespmem:$0x1A280] =	vst v63  }
0x13c: {  	_ =	swait.ge [sflag:s29], $0x2000  }
0x13d: {  	[sflag:s29] =	ssyncset.done $0x0  }
0x13e: {  	s8 =	rddreg [dreg:$0x1b];
	[sflag:s29] =	ssyncadd.s32 $0xFFFFE000  }
0x13f: {  	[tilespmem:s11], [sflag:$0x6] =	stream.linear.gather [spmem:s8], $0x2000, $0x38;
	[tilespmem:$0x1A280] =	vst v63  }
0x140: {  	_ =	swait.ge [sflag:s21], $0x2000  }
0x141: {  	[sflag:s21] =	ssyncset.done $0x0  }
0x142: {  	s23 =	rddreg [dreg:$0x10];
	[sflag:s21] =	ssyncadd.s32 $0xFFFFE000  }
0x143: {  	[hbm4b:s23+s3] =	stream.linear.scatter [tilespmem:s11], [sflag:$0xB], $0x2000, $0x38;
	[tilespmem:$0x1A280] =	vst v63  }
0x144: {  	_ =	swait.ge [sflag:s30], $0x2000  }
0x145: {  	[sflag:s30] =	ssyncset.done $0x0  }
0x146: {  	s2 =	rddreg [dreg:$0x1c];
	[sflag:s30] =	ssyncadd.s32 $0xFFFFE000  }
0x147: {  	[tilespmem:s26], [sflag:$0x7] =	stream.linear.gather [spmem:s2], $0x2000, $0x38;
	[tilespmem:$0x1A280] =	vst v63  }
0x148: {  	_ =	swait.ge [sflag:s28], $0x2000  }
0x149: {  	[sflag:s28] =	ssyncset.done $0x0  }
0x14a: {  	s4 =	rddreg [dreg:$0x11];
	[sflag:s28] =	ssyncadd.s32 $0xFFFFE000  }
0x14b: {  	[hbm4b:s4+s3] =	stream.linear.scatter [tilespmem:s26], [sflag:$0xC], $0x2000, $0x38;
	[tilespmem:$0x1A280] =	vst v63  }
0x14c: {  	_ =	swait.ge [sflag:s29], $0x2000  }
0x14d: {  	[sflag:s29] =	ssyncset.done $0x0  }
0x14e: {  	s5 =	rddreg [dreg:$0x1d];
	[sflag:s29] =	ssyncadd.s32 $0xFFFFE000  }
0x14f: {  	[tilespmem:s11], [sflag:$0x6] =	stream.linear.gather [spmem:s5], $0x2000, $0x38;
	[tilespmem:$0x1A280] =	vst v63  }
0x150: {  	_ =	swait.ge [sflag:s21], $0x2000  }
0x151: {  	[sflag:s21] =	ssyncset.done $0x0  }
0x152: {  	s6 =	rddreg [dreg:$0x12];
	[sflag:s21] =	ssyncadd.s32 $0xFFFFE000  }
0x153: {  	[hbm4b:s6+s3] =	stream.linear.scatter [tilespmem:s11], [sflag:$0xB], $0x2000, $0x38;
	[tilespmem:$0x1A280] =	vst v63  }
0x154: {  	_ =	swait.ge [sflag:s30], $0x2000  }
0x155: {  	[sflag:s30] =	ssyncset.done $0x0  }
0x156: {  	s7 =	rddreg [dreg:$0x1e];
	[sflag:s30] =	ssyncadd.s32 $0xFFFFE000  }
0x157: {  	[tilespmem:s26], [sflag:$0x7] =	stream.linear.gather [spmem:s7], $0x2000, $0x38;
	[tilespmem:$0x1A280] =	vst v63  }
0x158: {  	_ =	swait.ge [sflag:s28], $0x2000  }
0x159: {  	[sflag:s28] =	ssyncset.done $0x0  }
0x15a: {  	s8 =	rddreg [dreg:$0x13];
	[sflag:s28] =	ssyncadd.s32 $0xFFFFE000  }
0x15b: {  	[hbm4b:s8+s3] =	stream.linear.scatter [tilespmem:s26], [sflag:$0xC], $0x2000, $0x38;
	[tilespmem:$0x1A280] =	vst v63  }
0x15c: {  	_ =	swait.ge [sflag:s29], $0x2000  }
0x15d: {  	[sflag:s29] =	ssyncset.done $0x0  }
0x15e: {  	[sflag:s29] =	ssyncadd.s32 $0xFFFFE000  }
0x15f: {  	_ =	swait.ge [sflag:s30], $0x2000  }
0x160: {  	s31 =	sadd.s32 $0x1, s31;
	s23 =	rddreg [dreg:$0x1f]  }
0x161: {  	p0 =	sne.s32 s31, s23  }
.Ltmp1:
0x162: {  	_ = 	snop;
	(pc) =	sbr.rel @p0 .LBB2_1-.Ltmp1, $3  }
0x163: {  	_ =	sdelay $0x1  }
0x164: {  	[sflag:s30] =	ssyncset.done $0x0  }
0x165: {  	[sflag:s30] =	ssyncadd.s32 $0xFFFFE000  }
0x166: {  	_ =	sfence.sel $0x180000  }
0x167: {  	[bflag:$0x0] =	sbarrier.arrive $0xFFFF  }
0x168: {  	_ =	strace $0x90000047  }
0x169: {  	s0 =	stileid.u32;
	[bflag:$0x2] =	sbarrier.arrive $0xFFFF  }
0x16a: {  	p0 =	sne.s32 s0, $0x0;
	s0 =	rddreg [dreg:$0x3]  }
0x16b: {  	s0 =	sadd.s32 @!p0 $0x100000, s0  }
0x16c: {  	[sflag:s0] =	ssyncadd.tile.s32 @!p0 $0x1;
	_ =	shalt  }
.Lfunc_end2:
_tile_overlayer_lowered:
.L_overlay_start_2:
0x16d: {  	(tag) =	ssettag $0x2  }
0x16e: {  	s0 =	rddreg [dreg:$0x0];
	s2 =	stileid.u32  }
0x16f: {  	s1 =	rddreg [dreg:$0x1];
	p0 =	sne.s32 s2, $0x0  }
0x170: {  	s3 =	rddreg [dreg:$0x2];
	[bflag:$0x3] =	sbarrier.arrive $0xFFFF;
	s2 =	simm.s32 @!p0 $0x1C0D  }
0x171: {  	[timem:s3], [sflag:s2] =	dma.local @!p0 [hbm:s0], s1  }
0x172: {  	s0 =	simm.s32 @!p0 $0xD  }
0x173: {  	_ =	swait.ge @!p0 [sflag:s0], s1  }
0x174: {  	s1 =	ssub.s32 @!p0 $0x0, s1;
	[sflag:s0] =	ssyncset.done @!p0 $0x0  }
0x175: {  	[sflag:s0] =	ssyncadd.s32 @!p0 s1  }
0x176: {  	[bflag:$0x3] =	sbarrier.arrive $0xFFFF  }
0x177: {  	_ =	shalt  }

</sc_bundles>
